<compile_context>
chip_gen: v7x
topology: tpu7x:2x2x1
jax: 0.10.2.dev20260603
libtpu: 0.0.44.dev20260713+nightly
codegen_flags: <defaults>
</compile_context>

<pallas_src>
import functools

import jax
import jax.numpy as jnp
from jax import lax
from jax.experimental import pallas as pl
from jax.experimental.pallas import tpu as pltpu
from jax.experimental.pallas import tpu_sc as plsc

D_MODEL = 128
SEQ_LEN = 200
BATCH = 1024
ROW = SEQ_LEN * D_MODEL

NC = 2
NS = 16
NW = NC * NS
LANES = 16

TC_ROWS = 896
SC_ROWS = BATCH - TC_ROWS
SC_B_PER_W = SC_ROWS // NW

NBUF = 4
LOOKAHEAD = 2
CHUNKS_PER_W = SC_B_PER_W
RING_ITERS = CHUNKS_PER_W // NBUF


def _sc_add(x_flat, pe_flat):
    mesh = plsc.VectorSubcoreMesh(core_axis_name="c", subcore_axis_name="s")

    @functools.partial(
        pl.kernel,
        mesh=mesh,
        out_type=jax.ShapeDtypeStruct((SC_ROWS * ROW,), jnp.float32),
        scratch_types=[
            pltpu.VMEM((ROW,), jnp.float32),
            pltpu.VMEM((NBUF, ROW), jnp.float32),
            pltpu.SemaphoreType.DMA,
            pltpu.SemaphoreType.DMA,
        ],
    )
    def k(x_hbm, pe_hbm, out_hbm, pe_v, buf, sem_in, sem_out):
        wid = lax.axis_index("s") * NC + lax.axis_index("c")
        obase = wid * SC_B_PER_W * ROW
        ibase = TC_ROWS * ROW + obase
        pltpu.sync_copy(pe_hbm, pe_v)

        def in_copy(c, b):
            return pltpu.make_async_copy(
                x_hbm.at[pl.ds(ibase + c * ROW, ROW)], buf.at[b], sem_in)

        def out_copy(c, b):
            return pltpu.make_async_copy(
                buf.at[b], out_hbm.at[pl.ds(obase + c * ROW, ROW)], sem_out)

        for b in range(LOOKAHEAD):
            in_copy(b, b).start()

        def ring_step(g, _):
            for b in range(NBUF):
                c = g * NBUF + b
                in_copy(c, b).wait()

                @plsc.parallel_loop(0, ROW, step=LANES, unroll=16)
                def _add(off):
                    plsc.addupdate(
                        buf.at[b, pl.ds(off, LANES)],
                        pe_v[pl.ds(off, LANES)],
                    )

                out_copy(c, b).start()

                @pl.when(c + LOOKAHEAD < CHUNKS_PER_W)
                def _prefetch_next_in():
                    @pl.when(c >= NBUF - LOOKAHEAD)
                    def _drain_prev_out():
                        out_copy(c + LOOKAHEAD - NBUF,
                                 (b + LOOKAHEAD) % NBUF).wait()
                    in_copy(c + LOOKAHEAD, (b + LOOKAHEAD) % NBUF).start()
            return 0

        lax.fori_loop(0, RING_ITERS, ring_step, 0)
        for c in range(CHUNKS_PER_W - NBUF, CHUNKS_PER_W):
            out_copy(c, c % NBUF).wait()

    return k(x_flat, pe_flat)


B_BLK = 16


def _tc_body(x_ref, pe_ref, o_ref):
    o_ref[...] = x_ref[...] + pe_ref[...]


def _tc_add(x, pe):
    batch, seq_len, d = x.shape
    return pl.pallas_call(
        _tc_body,
        grid=(TC_ROWS // B_BLK,),
        in_specs=[
            pl.BlockSpec((B_BLK, seq_len, d), lambda i: (i, 0, 0)),
            pl.BlockSpec((1, seq_len, d), lambda i: (0, 0, 0)),
        ],
        out_specs=pl.BlockSpec((B_BLK, seq_len, d), lambda i: (i, 0, 0)),
        out_shape=jax.ShapeDtypeStruct((batch, seq_len, d), x.dtype),
        compiler_params=pltpu.CompilerParams(
            dimension_semantics=("arbitrary",),
        ),
    )(x, pe)


def kernel(x, seq_lens, pos_embedding):
    del seq_lens
    batch, seq_len, d = x.shape
    x_flat = x.reshape(batch * seq_len * d)
    pe = pos_embedding[:seq_len][None, :, :]
    pe_flat = pe.reshape(seq_len * d)
    out_sc = _sc_add(x_flat, pe_flat)
    out_full = _tc_add(x, pe)
    return lax.dynamic_update_slice(
        out_full, out_sc.reshape(SC_ROWS, seq_len, d), (TC_ROWS, 0, 0))

# --- scband reference (transcript-rebuilt; emitter-appended) ---
"""Pipeline reference for scband-adaptive-positional-encoding-29626684408525 (READ-ONLY COPY).

The authoritative reference and input builder live on the scoring server;
editing this copy changes nothing except your own understanding.
"""

import jax, jax.numpy as jnp
import numpy as np
import math

D_MODEL = 128
MAX_LEN = 256
BATCH = 1024
SEQ_LEN = 200


def _make_pos_embedding():
    position = np.arange(MAX_LEN, dtype=np.float64)[:, None]
    div_term = np.exp(np.arange(0, D_MODEL, 2, dtype=np.float64) * (-math.log(10000.0) / D_MODEL))
    pe = np.zeros((MAX_LEN, D_MODEL), dtype=np.float32)
    pe[:, 0::2] = np.sin(position * div_term).astype(np.float32)
    pe[:, 1::2] = np.cos(position * div_term).astype(np.float32)
    return jnp.asarray(pe)


def setup_inputs(seed: int = 0) -> dict:
    key = jax.random.key(seed)
    k1, k2 = jax.random.split(key)
    x = jax.random.normal(k1, (BATCH, SEQ_LEN, D_MODEL), dtype=jnp.float32)
    seq_lens = jax.random.randint(k2, (BATCH,), 0, SEQ_LEN, dtype=jnp.int32)
    pos_embedding = _make_pos_embedding()
    return {"x": x, "seq_lens": seq_lens, "pos_embedding": pos_embedding}


def reference(x, seq_lens, pos_embedding):
    batch_size, seq_len, _ = x.shape
    positions = jnp.broadcast_to(jnp.arange(seq_len, dtype=jnp.int32)[None, :], (batch_size, seq_len))
    pos_emb = jnp.take(pos_embedding, positions, axis=0)
    # dropout p=0.0 -> identity
    return x + pos_emb

if __name__ == "__main__":
    import jax
    _d = setup_inputs()
    print(jax.jit(kernel)(*tuple(_d.values())))

</pallas_src>

<mosaic_0001>
#map = affine_map<(d0, d1) -> (0)>
module attributes {stable_mosaic.version = 14 : i64} {
  func.func @k(%arg0: i32, %arg1: i32, %arg2: memref<26214400xf32, #tpu.memory_space<hbm>>, %arg3: memref<25600xf32, #tpu.memory_space<hbm>>, %arg4: memref<3276800xf32, #tpu.memory_space<hbm>>, %arg5: memref<25600xf32, #tpu.memory_space<vmem>>, %arg6: memref<4x25600xf32, #tpu.memory_space<vmem>>, %arg7: memref<!tpu.dma_semaphore, #tpu.memory_space<semaphore_mem>>, %arg8: memref<!tpu.dma_semaphore, #tpu.memory_space<semaphore_mem>>) attributes {dimension_semantics = [#tpu.dimension_semantics<core_parallel>, #tpu.dimension_semantics<subcore_parallel>], iteration_bounds = array<i64: 2, 16>, scalar_prefetch = 0 : i64, scratch_operands = 4 : i64, tpu.core_type = #tpu.core_type<sc_vector_subcore>, window_params = [{transform_indices = #map}, {transform_indices = #map}, {transform_indices = #map}]} {
    %mul3A = arith.constant 2 : i32
    %mul3A_0 = arith.muli %arg1, %mul3A : i32
    %add3A = arith.addi %mul3A_0, %arg0 : i32
    %mul3A_1 = arith.constant 4 : i32
    %mul3A_2 = arith.muli %add3A, %mul3A_1 : i32
    %mul3A_3 = arith.constant 25600 : i32
    %mul3A_4 = arith.muli %mul3A_2, %mul3A_3 : i32
    %add3A_5 = arith.constant 22937600 : i32
    %add3A_6 = arith.addi %add3A_5, %mul3A_4 : i32
    "tpu.region"() ({
      %run_scoped3A = tpu.sem_alloc : memref<!tpu.dma_semaphore, #tpu.memory_space<semaphore_mem>>
      tpu.enqueue_dma source(%arg3 : memref<25600xf32, #tpu.memory_space<hbm>>) target(%arg5 : memref<25600xf32, #tpu.memory_space<vmem>>) target_semaphore(%run_scoped3A : memref<!tpu.dma_semaphore, #tpu.memory_space<semaphore_mem>>)
      tpu.wait_dma2 semaphore(%run_scoped3A : memref<!tpu.dma_semaphore, #tpu.memory_space<semaphore_mem>>) src(%arg3 : memref<25600xf32, #tpu.memory_space<hbm>>) dst(%arg5 : memref<25600xf32, #tpu.memory_space<vmem>>)
      tpu.yield
    }) : () -> ()
    %add3A_7 = arith.constant 0 : i32
    %add3A_8 = arith.addi %add3A_6, %add3A_7 : i32
    %dma_start3A = arith.constant 0 : i32
    %dma_start3A_9 = arith.constant 0 : i32
    %dma_start3A_10 = tpu.memref_slice %arg6[%dma_start3A, %dma_start3A_9] : memref<4x25600xf32, #tpu.memory_space<vmem>> -> memref<1x25600xf32, #tpu.memory_space<vmem>>
    %dma_start3A_11 = tpu.memref_squeeze %dma_start3A_10 : memref<1x25600xf32, #tpu.memory_space<vmem>> -> memref<25600xf32, #tpu.memory_space<vmem>>
    %dma_start3A_12 = tpu.memref_slice %arg2[%add3A_8] : memref<26214400xf32, #tpu.memory_space<hbm>> -> memref<25600xf32, #tpu.memory_space<hbm>>
    %dma_start3A_13 = arith.constant 0 : i32
    %dma_start3A_14 = tpu.memref_slice %arg6[%dma_start3A, %dma_start3A_13] : memref<4x25600xf32, #tpu.memory_space<vmem>> -> memref<1x25600xf32, #tpu.memory_space<vmem>>
    %dma_start3A_15 = tpu.memref_squeeze %dma_start3A_14 : memref<1x25600xf32, #tpu.memory_space<vmem>> -> memref<25600xf32, #tpu.memory_space<vmem>>
    %dma_start3A_16 = tpu.memref_slice %arg2[%add3A_8] : memref<26214400xf32, #tpu.memory_space<hbm>> -> memref<25600xf32, #tpu.memory_space<hbm>>
    tpu.enqueue_dma source(%dma_start3A_16 : memref<25600xf32, #tpu.memory_space<hbm>>) target(%dma_start3A_15 : memref<25600xf32, #tpu.memory_space<vmem>>) target_semaphore(%arg7 : memref<!tpu.dma_semaphore, #tpu.memory_space<semaphore_mem>>)
    %add3A_17 = arith.constant 25600 : i32
    %add3A_18 = arith.addi %add3A_6, %add3A_17 : i32
    %dma_start3A_19 = arith.constant 1 : i32
    %dma_start3A_20 = arith.constant 0 : i32
    %dma_start3A_21 = tpu.memref_slice %arg6[%dma_start3A_19, %dma_start3A_20] : memref<4x25600xf32, #tpu.memory_space<vmem>> -> memref<1x25600xf32, #tpu.memory_space<vmem>>
    %dma_start3A_22 = tpu.memref_squeeze %dma_start3A_21 : memref<1x25600xf32, #tpu.memory_space<vmem>> -> memref<25600xf32, #tpu.memory_space<vmem>>
    %dma_start3A_23 = tpu.memref_slice %arg2[%add3A_18] : memref<26214400xf32, #tpu.memory_space<hbm>> -> memref<25600xf32, #tpu.memory_space<hbm>>
    %dma_start3A_24 = arith.constant 0 : i32
    %dma_start3A_25 = tpu.memref_slice %arg6[%dma_start3A_19, %dma_start3A_24] : memref<4x25600xf32, #tpu.memory_space<vmem>> -> memref<1x25600xf32, #tpu.memory_space<vmem>>
    %dma_start3A_26 = tpu.memref_squeeze %dma_start3A_25 : memref<1x25600xf32, #tpu.memory_space<vmem>> -> memref<25600xf32, #tpu.memory_space<vmem>>
    %dma_start3A_27 = tpu.memref_slice %arg2[%add3A_18] : memref<26214400xf32, #tpu.memory_space<hbm>> -> memref<25600xf32, #tpu.memory_space<hbm>>
    tpu.enqueue_dma source(%dma_start3A_27 : memref<25600xf32, #tpu.memory_space<hbm>>) target(%dma_start3A_26 : memref<25600xf32, #tpu.memory_space<vmem>>) target_semaphore(%arg7 : memref<!tpu.dma_semaphore, #tpu.memory_space<semaphore_mem>>)
    %scan3A = arith.constant 0 : i32
    %scan3A_28 = arith.constant 0 : i32
    %mul3A_29 = arith.constant 4 : i32
    %mul3A_30 = arith.muli %scan3A_28, %mul3A_29 : i32
    %add3A_31 = arith.constant 0 : i32
    %add3A_32 = arith.addi %mul3A_30, %add3A_31 : i32
    %mul3A_33 = arith.constant 25600 : i32
    %mul3A_34 = arith.muli %add3A_32, %mul3A_33 : i32
    %add3A_35 = arith.addi %add3A_6, %mul3A_34 : i32
    %dma_wait3A = arith.constant 0 : i32
    %dma_wait3A_36 = arith.constant 0 : i32
    %dma_wait3A_37 = tpu.memref_slice %arg6[%dma_wait3A, %dma_wait3A_36] : memref<4x25600xf32, #tpu.memory_space<vmem>> -> memref<1x25600xf32, #tpu.memory_space<vmem>>
    %dma_wait3A_38 = tpu.memref_squeeze %dma_wait3A_37 : memref<1x25600xf32, #tpu.memory_space<vmem>> -> memref<25600xf32, #tpu.memory_space<vmem>>
    %dma_wait3A_39 = tpu.memref_slice %arg2[%add3A_35] : memref<26214400xf32, #tpu.memory_space<hbm>> -> memref<25600xf32, #tpu.memory_space<hbm>>
    %dma_wait3A_40 = arith.constant 0 : i32
    %dma_wait3A_41 = tpu.memref_slice %arg6[%dma_wait3A, %dma_wait3A_40] : memref<4x25600xf32, #tpu.memory_space<vmem>> -> memref<1x25600xf32, #tpu.memory_space<vmem>>
    %dma_wait3A_42 = tpu.memref_squeeze %dma_wait3A_41 : memref<1x25600xf32, #tpu.memory_space<vmem>> -> memref<25600xf32, #tpu.memory_space<vmem>>
    %dma_wait3A_43 = tpu.memref_slice %arg2[%add3A_35] : memref<26214400xf32, #tpu.memory_space<hbm>> -> memref<25600xf32, #tpu.memory_space<hbm>>
    tpu.wait_dma2 semaphore(%arg7 : memref<!tpu.dma_semaphore, #tpu.memory_space<semaphore_mem>>) src(%dma_wait3A_43 : memref<25600xf32, #tpu.memory_space<hbm>>) dst(%dma_wait3A_42 : memref<25600xf32, #tpu.memory_space<vmem>>)
    %parallel_loop3A = arith.constant 0 : i32
    %parallel_loop3A_44 = arith.constant 25600 : i32
    %parallel_loop3A_45 = arith.constant 16 : i32
    scf.for %parallel_loop3A_222 = %parallel_loop3A to %parallel_loop3A_44 step %parallel_loop3A_45  : i32 {
      %parallel_loop3A_223 = arith.index_cast %parallel_loop3A_222 : i32 to index
      %parallel_loop3A_224 = tpu.vector_load %arg5[%parallel_loop3A_223] {strides = array<i32>} : memref<25600xf32, #tpu.memory_space<vmem>>, vector<16xf32>,
      %parallel_loop3A_225 = vector.shape_cast %parallel_loop3A_224 : vector<16xf32> to vector<16xf32>
      %parallel_loop3A_226 = arith.constant 0 : i32
      %parallel_loop3A_227 = arith.index_cast %parallel_loop3A_226 : i32 to index
      %parallel_loop3A_228 = arith.index_cast %parallel_loop3A_222 : i32 to index
      %parallel_loop3A_229 = tpu.vector_load %arg6[%parallel_loop3A_227, %parallel_loop3A_228] {strides = array<i32>} : memref<4x25600xf32, #tpu.memory_space<vmem>>, vector<1x16xf32>,
      %parallel_loop3A_230 = vector.shape_cast %parallel_loop3A_229 : vector<1x16xf32> to vector<16xf32>
      %parallel_loop3A_231 = vector.shape_cast %parallel_loop3A_225 : vector<16xf32> to vector<1x16xf32>
      tpu.vector_store %arg6[%parallel_loop3A_227, %parallel_loop3A_228], %parallel_loop3A_231 {add = true, strides = array<i32>} : memref<4x25600xf32, #tpu.memory_space<vmem>>, vector<1x16xf32>,
    } {sc.loop_unroll_factor = 16 : i64, sc.parallel_access}
    %mul3A_46 = arith.constant 25600 : i32
    %mul3A_47 = arith.muli %add3A_32, %mul3A_46 : i32
    %add3A_48 = arith.addi %mul3A_4, %mul3A_47 : i32
    %dma_start3A_49 = arith.constant 0 : i32
    %dma_start3A_50 = arith.constant 0 : i32
    %dma_start3A_51 = tpu.memref_slice %arg6[%dma_start3A_49, %dma_start3A_50] : memref<4x25600xf32, #tpu.memory_space<vmem>> -> memref<1x25600xf32, #tpu.memory_space<vmem>>
    %dma_start3A_52 = tpu.memref_squeeze %dma_start3A_51 : memref<1x25600xf32, #tpu.memory_space<vmem>> -> memref<25600xf32, #tpu.memory_space<vmem>>
    %dma_start3A_53 = tpu.memref_slice %arg4[%add3A_48] : memref<3276800xf32, #tpu.memory_space<hbm>> -> memref<25600xf32, #tpu.memory_space<hbm>>
    %dma_start3A_54 = tpu.memref_slice %arg4[%add3A_48] : memref<3276800xf32, #tpu.memory_space<hbm>> -> memref<25600xf32, #tpu.memory_space<hbm>>
    %dma_start3A_55 = arith.constant 0 : i32
    %dma_start3A_56 = tpu.memref_slice %arg6[%dma_start3A_49, %dma_start3A_55] : memref<4x25600xf32, #tpu.memory_space<vmem>> -> memref<1x25600xf32, #tpu.memory_space<vmem>>
    %dma_start3A_57 = tpu.memref_squeeze %dma_start3A_56 : memref<1x25600xf32, #tpu.memory_space<vmem>> -> memref<25600xf32, #tpu.memory_space<vmem>>
    tpu.enqueue_dma source(%dma_start3A_57 : memref<25600xf32, #tpu.memory_space<vmem>>) target(%dma_start3A_54 : memref<25600xf32, #tpu.memory_space<hbm>>) target_semaphore(%arg8 : memref<!tpu.dma_semaphore, #tpu.memory_space<semaphore_mem>>)
    %add3A_58 = arith.constant 2 : i32
    %add3A_59 = arith.addi %add3A_32, %add3A_58 : i32
    %lt3A = arith.constant 4 : i32
    %lt3A_60 = arith.cmpi slt, %add3A_59, %lt3A : i32
    %convert_element_type3A = arith.extui %lt3A_60 : i1 to i32
    %cond3A = arith.constant 0 : i32
    %cond3A_61 = arith.cmpi ne, %convert_element_type3A, %cond3A : i32
    scf.if %cond3A_61 {
      %ge3A = arith.constant 2 : i32
      %ge3A_222 = arith.cmpi sge, %add3A_32, %ge3A : i32
      %convert_element_type3A_223 = arith.extui %ge3A_222 : i1 to i32
      %cond3A_224 = arith.constant 0 : i32
      %cond3A_225 = arith.cmpi ne, %convert_element_type3A_223, %cond3A_224 : i32
      scf.if %cond3A_225 {
        %add3A_240 = arith.constant 2 : i32
        %add3A_241 = arith.addi %add3A_32, %add3A_240 : i32
        %sub3A = arith.constant 4 : i32
        %sub3A_242 = arith.subi %add3A_241, %sub3A : i32
        %mul3A_243 = arith.constant 25600 : i32
        %mul3A_244 = arith.muli %sub3A_242, %mul3A_243 : i32
        %add3A_245 = arith.addi %mul3A_4, %mul3A_244 : i32
        %dma_wait3A_246 = arith.constant 2 : i32
        %dma_wait3A_247 = arith.constant 0 : i32
        %dma_wait3A_248 = tpu.memref_slice %arg6[%dma_wait3A_246, %dma_wait3A_247] : memref<4x25600xf32, #tpu.memory_space<vmem>> -> memref<1x25600xf32, #tpu.memory_space<vmem>>
        %dma_wait3A_249 = tpu.memref_squeeze %dma_wait3A_248 : memref<1x25600xf32, #tpu.memory_space<vmem>> -> memref<25600xf32, #tpu.memory_space<vmem>>
        %dma_wait3A_250 = tpu.memref_slice %arg4[%add3A_245] : memref<3276800xf32, #tpu.memory_space<hbm>> -> memref<25600xf32, #tpu.memory_space<hbm>>
        %dma_wait3A_251 = tpu.memref_slice %arg4[%add3A_245] : memref<3276800xf32, #tpu.memory_space<hbm>> -> memref<25600xf32, #tpu.memory_space<hbm>>
        %dma_wait3A_252 = arith.constant 0 : i32
        %dma_wait3A_253 = tpu.memref_slice %arg6[%dma_wait3A_246, %dma_wait3A_252] : memref<4x25600xf32, #tpu.memory_space<vmem>> -> memref<1x25600xf32, #tpu.memory_space<vmem>>
        %dma_wait3A_254 = tpu.memref_squeeze %dma_wait3A_253 : memref<1x25600xf32, #tpu.memory_space<vmem>> -> memref<25600xf32, #tpu.memory_space<vmem>>
        tpu.wait_dma2 semaphore(%arg8 : memref<!tpu.dma_semaphore, #tpu.memory_space<semaphore_mem>>) src(%dma_wait3A_254 : memref<25600xf32, #tpu.memory_space<vmem>>) dst(%dma_wait3A_251 : memref<25600xf32, #tpu.memory_space<hbm>>)
      } else {
      }
      %add3A_226 = arith.constant 2 : i32
      %add3A_227 = arith.addi %add3A_32, %add3A_226 : i32
      %mul3A_228 = arith.constant 25600 : i32
      %mul3A_229 = arith.muli %add3A_227, %mul3A_228 : i32
      %add3A_230 = arith.addi %add3A_6, %mul3A_229 : i32
      %dma_start3A_231 = arith.constant 2 : i32
      %dma_start3A_232 = arith.constant 0 : i32
      %dma_start3A_233 = tpu.memref_slice %arg6[%dma_start3A_231, %dma_start3A_232] : memref<4x25600xf32, #tpu.memory_space<vmem>> -> memref<1x25600xf32, #tpu.memory_space<vmem>>
      %dma_start3A_234 = tpu.memref_squeeze %dma_start3A_233 : memref<1x25600xf32, #tpu.memory_space<vmem>> -> memref<25600xf32, #tpu.memory_space<vmem>>
      %dma_start3A_235 = tpu.memref_slice %arg2[%add3A_230] : memref<26214400xf32, #tpu.memory_space<hbm>> -> memref<25600xf32, #tpu.memory_space<hbm>>
      %dma_start3A_236 = arith.constant 0 : i32
      %dma_start3A_237 = tpu.memref_slice %arg6[%dma_start3A_231, %dma_start3A_236] : memref<4x25600xf32, #tpu.memory_space<vmem>> -> memref<1x25600xf32, #tpu.memory_space<vmem>>
      %dma_start3A_238 = tpu.memref_squeeze %dma_start3A_237 : memref<1x25600xf32, #tpu.memory_space<vmem>> -> memref<25600xf32, #tpu.memory_space<vmem>>
      %dma_start3A_239 = tpu.memref_slice %arg2[%add3A_230] : memref<26214400xf32, #tpu.memory_space<hbm>> -> memref<25600xf32, #tpu.memory_space<hbm>>
      tpu.enqueue_dma source(%dma_start3A_239 : memref<25600xf32, #tpu.memory_space<hbm>>) target(%dma_start3A_238 : memref<25600xf32, #tpu.memory_space<vmem>>) target_semaphore(%arg7 : memref<!tpu.dma_semaphore, #tpu.memory_space<semaphore_mem>>)
    } else {
    }
    %mul3A_62 = arith.constant 4 : i32
    %mul3A_63 = arith.muli %scan3A_28, %mul3A_62 : i32
    %add3A_64 = arith.constant 1 : i32
    %add3A_65 = arith.addi %mul3A_63, %add3A_64 : i32
    %mul3A_66 = arith.constant 25600 : i32
    %mul3A_67 = arith.muli %add3A_65, %mul3A_66 : i32
    %add3A_68 = arith.addi %add3A_6, %mul3A_67 : i32
    %dma_wait3A_69 = arith.constant 1 : i32
    %dma_wait3A_70 = arith.constant 0 : i32
    %dma_wait3A_71 = tpu.memref_slice %arg6[%dma_wait3A_69, %dma_wait3A_70] : memref<4x25600xf32, #tpu.memory_space<vmem>> -> memref<1x25600xf32, #tpu.memory_space<vmem>>
    %dma_wait3A_72 = tpu.memref_squeeze %dma_wait3A_71 : memref<1x25600xf32, #tpu.memory_space<vmem>> -> memref<25600xf32, #tpu.memory_space<vmem>>
    %dma_wait3A_73 = tpu.memref_slice %arg2[%add3A_68] : memref<26214400xf32, #tpu.memory_space<hbm>> -> memref<25600xf32, #tpu.memory_space<hbm>>
    %dma_wait3A_74 = arith.constant 0 : i32
    %dma_wait3A_75 = tpu.memref_slice %arg6[%dma_wait3A_69, %dma_wait3A_74] : memref<4x25600xf32, #tpu.memory_space<vmem>> -> memref<1x25600xf32, #tpu.memory_space<vmem>>
    %dma_wait3A_76 = tpu.memref_squeeze %dma_wait3A_75 : memref<1x25600xf32, #tpu.memory_space<vmem>> -> memref<25600xf32, #tpu.memory_space<vmem>>
    %dma_wait3A_77 = tpu.memref_slice %arg2[%add3A_68] : memref<26214400xf32, #tpu.memory_space<hbm>> -> memref<25600xf32, #tpu.memory_space<hbm>>
    tpu.wait_dma2 semaphore(%arg7 : memref<!tpu.dma_semaphore, #tpu.memory_space<semaphore_mem>>) src(%dma_wait3A_77 : memref<25600xf32, #tpu.memory_space<hbm>>) dst(%dma_wait3A_76 : memref<25600xf32, #tpu.memory_space<vmem>>)
    %parallel_loop3A_78 = arith.constant 0 : i32
    %parallel_loop3A_79 = arith.constant 25600 : i32
    %parallel_loop3A_80 = arith.constant 16 : i32
    scf.for %parallel_loop3A_222 = %parallel_loop3A_78 to %parallel_loop3A_79 step %parallel_loop3A_80  : i32 {
      %parallel_loop3A_223 = arith.index_cast %parallel_loop3A_222 : i32 to index
      %parallel_loop3A_224 = tpu.vector_load %arg5[%parallel_loop3A_223] {strides = array<i32>} : memref<25600xf32, #tpu.memory_space<vmem>>, vector<16xf32>,
      %parallel_loop3A_225 = vector.shape_cast %parallel_loop3A_224 : vector<16xf32> to vector<16xf32>
      %parallel_loop3A_226 = arith.constant 1 : i32
      %parallel_loop3A_227 = arith.index_cast %parallel_loop3A_226 : i32 to index
      %parallel_loop3A_228 = arith.index_cast %parallel_loop3A_222 : i32 to index
      %parallel_loop3A_229 = tpu.vector_load %arg6[%parallel_loop3A_227, %parallel_loop3A_228] {strides = array<i32>} : memref<4x25600xf32, #tpu.memory_space<vmem>>, vector<1x16xf32>,
      %parallel_loop3A_230 = vector.shape_cast %parallel_loop3A_229 : vector<1x16xf32> to vector<16xf32>
      %parallel_loop3A_231 = vector.shape_cast %parallel_loop3A_225 : vector<16xf32> to vector<1x16xf32>
      tpu.vector_store %arg6[%parallel_loop3A_227, %parallel_loop3A_228], %parallel_loop3A_231 {add = true, strides = array<i32>} : memref<4x25600xf32, #tpu.memory_space<vmem>>, vector<1x16xf32>,
    } {sc.loop_unroll_factor = 16 : i64, sc.parallel_access}
    %mul3A_81 = arith.constant 25600 : i32
    %mul3A_82 = arith.muli %add3A_65, %mul3A_81 : i32
    %add3A_83 = arith.addi %mul3A_4, %mul3A_82 : i32
    %dma_start3A_84 = arith.constant 1 : i32
    %dma_start3A_85 = arith.constant 0 : i32
    %dma_start3A_86 = tpu.memref_slice %arg6[%dma_start3A_84, %dma_start3A_85] : memref<4x25600xf32, #tpu.memory_space<vmem>> -> memref<1x25600xf32, #tpu.memory_space<vmem>>
    %dma_start3A_87 = tpu.memref_squeeze %dma_start3A_86 : memref<1x25600xf32, #tpu.memory_space<vmem>> -> memref<25600xf32, #tpu.memory_space<vmem>>
    %dma_start3A_88 = tpu.memref_slice %arg4[%add3A_83] : memref<3276800xf32, #tpu.memory_space<hbm>> -> memref<25600xf32, #tpu.memory_space<hbm>>
    %dma_start3A_89 = tpu.memref_slice %arg4[%add3A_83] : memref<3276800xf32, #tpu.memory_space<hbm>> -> memref<25600xf32, #tpu.memory_space<hbm>>
    %dma_start3A_90 = arith.constant 0 : i32
    %dma_start3A_91 = tpu.memref_slice %arg6[%dma_start3A_84, %dma_start3A_90] : memref<4x25600xf32, #tpu.memory_space<vmem>> -> memref<1x25600xf32, #tpu.memory_space<vmem>>
    %dma_start3A_92 = tpu.memref_squeeze %dma_start3A_91 : memref<1x25600xf32, #tpu.memory_space<vmem>> -> memref<25600xf32, #tpu.memory_space<vmem>>
    tpu.enqueue_dma source(%dma_start3A_92 : memref<25600xf32, #tpu.memory_space<vmem>>) target(%dma_start3A_89 : memref<25600xf32, #tpu.memory_space<hbm>>) target_semaphore(%arg8 : memref<!tpu.dma_semaphore, #tpu.memory_space<semaphore_mem>>)
    %add3A_93 = arith.constant 2 : i32
    %add3A_94 = arith.addi %add3A_65, %add3A_93 : i32
    %lt3A_95 = arith.constant 4 : i32
    %lt3A_96 = arith.cmpi slt, %add3A_94, %lt3A_95 : i32
    %convert_element_type3A_97 = arith.extui %lt3A_96 : i1 to i32
    %cond3A_98 = arith.constant 0 : i32
    %cond3A_99 = arith.cmpi ne, %convert_element_type3A_97, %cond3A_98 : i32
    scf.if %cond3A_99 {
      %ge3A = arith.constant 2 : i32
      %ge3A_222 = arith.cmpi sge, %add3A_65, %ge3A : i32
      %convert_element_type3A_223 = arith.extui %ge3A_222 : i1 to i32
      %cond3A_224 = arith.constant 0 : i32
      %cond3A_225 = arith.cmpi ne, %convert_element_type3A_223, %cond3A_224 : i32
      scf.if %cond3A_225 {
        %add3A_240 = arith.constant 2 : i32
        %add3A_241 = arith.addi %add3A_65, %add3A_240 : i32
        %sub3A = arith.constant 4 : i32
        %sub3A_242 = arith.subi %add3A_241, %sub3A : i32
        %mul3A_243 = arith.constant 25600 : i32
        %mul3A_244 = arith.muli %sub3A_242, %mul3A_243 : i32
        %add3A_245 = arith.addi %mul3A_4, %mul3A_244 : i32
        %dma_wait3A_246 = arith.constant 3 : i32
        %dma_wait3A_247 = arith.constant 0 : i32
        %dma_wait3A_248 = tpu.memref_slice %arg6[%dma_wait3A_246, %dma_wait3A_247] : memref<4x25600xf32, #tpu.memory_space<vmem>> -> memref<1x25600xf32, #tpu.memory_space<vmem>>
        %dma_wait3A_249 = tpu.memref_squeeze %dma_wait3A_248 : memref<1x25600xf32, #tpu.memory_space<vmem>> -> memref<25600xf32, #tpu.memory_space<vmem>>
        %dma_wait3A_250 = tpu.memref_slice %arg4[%add3A_245] : memref<3276800xf32, #tpu.memory_space<hbm>> -> memref<25600xf32, #tpu.memory_space<hbm>>
        %dma_wait3A_251 = tpu.memref_slice %arg4[%add3A_245] : memref<3276800xf32, #tpu.memory_space<hbm>> -> memref<25600xf32, #tpu.memory_space<hbm>>
        %dma_wait3A_252 = arith.constant 0 : i32
        %dma_wait3A_253 = tpu.memref_slice %arg6[%dma_wait3A_246, %dma_wait3A_252] : memref<4x25600xf32, #tpu.memory_space<vmem>> -> memref<1x25600xf32, #tpu.memory_space<vmem>>
        %dma_wait3A_254 = tpu.memref_squeeze %dma_wait3A_253 : memref<1x25600xf32, #tpu.memory_space<vmem>> -> memref<25600xf32, #tpu.memory_space<vmem>>
        tpu.wait_dma2 semaphore(%arg8 : memref<!tpu.dma_semaphore, #tpu.memory_space<semaphore_mem>>) src(%dma_wait3A_254 : memref<25600xf32, #tpu.memory_space<vmem>>) dst(%dma_wait3A_251 : memref<25600xf32, #tpu.memory_space<hbm>>)
      } else {
      }
      %add3A_226 = arith.constant 2 : i32
      %add3A_227 = arith.addi %add3A_65, %add3A_226 : i32
      %mul3A_228 = arith.constant 25600 : i32
      %mul3A_229 = arith.muli %add3A_227, %mul3A_228 : i32
      %add3A_230 = arith.addi %add3A_6, %mul3A_229 : i32
      %dma_start3A_231 = arith.constant 3 : i32
      %dma_start3A_232 = arith.constant 0 : i32
      %dma_start3A_233 = tpu.memref_slice %arg6[%dma_start3A_231, %dma_start3A_232] : memref<4x25600xf32, #tpu.memory_space<vmem>> -> memref<1x25600xf32, #tpu.memory_space<vmem>>
      %dma_start3A_234 = tpu.memref_squeeze %dma_start3A_233 : memref<1x25600xf32, #tpu.memory_space<vmem>> -> memref<25600xf32, #tpu.memory_space<vmem>>
      %dma_start3A_235 = tpu.memref_slice %arg2[%add3A_230] : memref<26214400xf32, #tpu.memory_space<hbm>> -> memref<25600xf32, #tpu.memory_space<hbm>>
      %dma_start3A_236 = arith.constant 0 : i32
      %dma_start3A_237 = tpu.memref_slice %arg6[%dma_start3A_231, %dma_start3A_236] : memref<4x25600xf32, #tpu.memory_space<vmem>> -> memref<1x25600xf32, #tpu.memory_space<vmem>>
      %dma_start3A_238 = tpu.memref_squeeze %dma_start3A_237 : memref<1x25600xf32, #tpu.memory_space<vmem>> -> memref<25600xf32, #tpu.memory_space<vmem>>
      %dma_start3A_239 = tpu.memref_slice %arg2[%add3A_230] : memref<26214400xf32, #tpu.memory_space<hbm>> -> memref<25600xf32, #tpu.memory_space<hbm>>
      tpu.enqueue_dma source(%dma_start3A_239 : memref<25600xf32, #tpu.memory_space<hbm>>) target(%dma_start3A_238 : memref<25600xf32, #tpu.memory_space<vmem>>) target_semaphore(%arg7 : memref<!tpu.dma_semaphore, #tpu.memory_space<semaphore_mem>>)
    } else {
    }
    %mul3A_100 = arith.constant 4 : i32
    %mul3A_101 = arith.muli %scan3A_28, %mul3A_100 : i32
    %add3A_102 = arith.constant 2 : i32
    %add3A_103 = arith.addi %mul3A_101, %add3A_102 : i32
    %mul3A_104 = arith.constant 25600 : i32
    %mul3A_105 = arith.muli %add3A_103, %mul3A_104 : i32
    %add3A_106 = arith.addi %add3A_6, %mul3A_105 : i32
    %dma_wait3A_107 = arith.constant 2 : i32
    %dma_wait3A_108 = arith.constant 0 : i32
    %dma_wait3A_109 = tpu.memref_slice %arg6[%dma_wait3A_107, %dma_wait3A_108] : memref<4x25600xf32, #tpu.memory_space<vmem>> -> memref<1x25600xf32, #tpu.memory_space<vmem>>
    %dma_wait3A_110 = tpu.memref_squeeze %dma_wait3A_109 : memref<1x25600xf32, #tpu.memory_space<vmem>> -> memref<25600xf32, #tpu.memory_space<vmem>>
    %dma_wait3A_111 = tpu.memref_slice %arg2[%add3A_106] : memref<26214400xf32, #tpu.memory_space<hbm>> -> memref<25600xf32, #tpu.memory_space<hbm>>
    %dma_wait3A_112 = arith.constant 0 : i32
    %dma_wait3A_113 = tpu.memref_slice %arg6[%dma_wait3A_107, %dma_wait3A_112] : memref<4x25600xf32, #tpu.memory_space<vmem>> -> memref<1x25600xf32, #tpu.memory_space<vmem>>
    %dma_wait3A_114 = tpu.memref_squeeze %dma_wait3A_113 : memref<1x25600xf32, #tpu.memory_space<vmem>> -> memref<25600xf32, #tpu.memory_space<vmem>>
    %dma_wait3A_115 = tpu.memref_slice %arg2[%add3A_106] : memref<26214400xf32, #tpu.memory_space<hbm>> -> memref<25600xf32, #tpu.memory_space<hbm>>
    tpu.wait_dma2 semaphore(%arg7 : memref<!tpu.dma_semaphore, #tpu.memory_space<semaphore_mem>>) src(%dma_wait3A_115 : memref<25600xf32, #tpu.memory_space<hbm>>) dst(%dma_wait3A_114 : memref<25600xf32, #tpu.memory_space<vmem>>)
    %parallel_loop3A_116 = arith.constant 0 : i32
    %parallel_loop3A_117 = arith.constant 25600 : i32
    %parallel_loop3A_118 = arith.constant 16 : i32
    scf.for %parallel_loop3A_222 = %parallel_loop3A_116 to %parallel_loop3A_117 step %parallel_loop3A_118  : i32 {
      %parallel_loop3A_223 = arith.index_cast %parallel_loop3A_222 : i32 to index
      %parallel_loop3A_224 = tpu.vector_load %arg5[%parallel_loop3A_223] {strides = array<i32>} : memref<25600xf32, #tpu.memory_space<vmem>>, vector<16xf32>,
      %parallel_loop3A_225 = vector.shape_cast %parallel_loop3A_224 : vector<16xf32> to vector<16xf32>
      %parallel_loop3A_226 = arith.constant 2 : i32
      %parallel_loop3A_227 = arith.index_cast %parallel_loop3A_226 : i32 to index
      %parallel_loop3A_228 = arith.index_cast %parallel_loop3A_222 : i32 to index
      %parallel_loop3A_229 = tpu.vector_load %arg6[%parallel_loop3A_227, %parallel_loop3A_228] {strides = array<i32>} : memref<4x25600xf32, #tpu.memory_space<vmem>>, vector<1x16xf32>,
      %parallel_loop3A_230 = vector.shape_cast %parallel_loop3A_229 : vector<1x16xf32> to vector<16xf32>
      %parallel_loop3A_231 = vector.shape_cast %parallel_loop3A_225 : vector<16xf32> to vector<1x16xf32>
      tpu.vector_store %arg6[%parallel_loop3A_227, %parallel_loop3A_228], %parallel_loop3A_231 {add = true, strides = array<i32>} : memref<4x25600xf32, #tpu.memory_space<vmem>>, vector<1x16xf32>,
    } {sc.loop_unroll_factor = 16 : i64, sc.parallel_access}
    %mul3A_119 = arith.constant 25600 : i32
    %mul3A_120 = arith.muli %add3A_103, %mul3A_119 : i32
    %add3A_121 = arith.addi %mul3A_4, %mul3A_120 : i32
    %dma_start3A_122 = arith.constant 2 : i32
    %dma_start3A_123 = arith.constant 0 : i32
    %dma_start3A_124 = tpu.memref_slice %arg6[%dma_start3A_122, %dma_start3A_123] : memref<4x25600xf32, #tpu.memory_space<vmem>> -> memref<1x25600xf32, #tpu.memory_space<vmem>>
    %dma_start3A_125 = tpu.memref_squeeze %dma_start3A_124 : memref<1x25600xf32, #tpu.memory_space<vmem>> -> memref<25600xf32, #tpu.memory_space<vmem>>
    %dma_start3A_126 = tpu.memref_slice %arg4[%add3A_121] : memref<3276800xf32, #tpu.memory_space<hbm>> -> memref<25600xf32, #tpu.memory_space<hbm>>
    %dma_start3A_127 = tpu.memref_slice %arg4[%add3A_121] : memref<3276800xf32, #tpu.memory_space<hbm>> -> memref<25600xf32, #tpu.memory_space<hbm>>
    %dma_start3A_128 = arith.constant 0 : i32
    %dma_start3A_129 = tpu.memref_slice %arg6[%dma_start3A_122, %dma_start3A_128] : memref<4x25600xf32, #tpu.memory_space<vmem>> -> memref<1x25600xf32, #tpu.memory_space<vmem>>
    %dma_start3A_130 = tpu.memref_squeeze %dma_start3A_129 : memref<1x25600xf32, #tpu.memory_space<vmem>> -> memref<25600xf32, #tpu.memory_space<vmem>>
    tpu.enqueue_dma source(%dma_start3A_130 : memref<25600xf32, #tpu.memory_space<vmem>>) target(%dma_start3A_127 : memref<25600xf32, #tpu.memory_space<hbm>>) target_semaphore(%arg8 : memref<!tpu.dma_semaphore, #tpu.memory_space<semaphore_mem>>)
    %add3A_131 = arith.constant 2 : i32
    %add3A_132 = arith.addi %add3A_103, %add3A_131 : i32
    %lt3A_133 = arith.constant 4 : i32
    %lt3A_134 = arith.cmpi slt, %add3A_132, %lt3A_133 : i32
    %convert_element_type3A_135 = arith.extui %lt3A_134 : i1 to i32
    %cond3A_136 = arith.constant 0 : i32
    %cond3A_137 = arith.cmpi ne, %convert_element_type3A_135, %cond3A_136 : i32
    scf.if %cond3A_137 {
      %ge3A = arith.constant 2 : i32
      %ge3A_222 = arith.cmpi sge, %add3A_103, %ge3A : i32
      %convert_element_type3A_223 = arith.extui %ge3A_222 : i1 to i32
      %cond3A_224 = arith.constant 0 : i32
      %cond3A_225 = arith.cmpi ne, %convert_element_type3A_223, %cond3A_224 : i32
      scf.if %cond3A_225 {
        %add3A_240 = arith.constant 2 : i32
        %add3A_241 = arith.addi %add3A_103, %add3A_240 : i32
        %sub3A = arith.constant 4 : i32
        %sub3A_242 = arith.subi %add3A_241, %sub3A : i32
        %mul3A_243 = arith.constant 25600 : i32
        %mul3A_244 = arith.muli %sub3A_242, %mul3A_243 : i32
        %add3A_245 = arith.addi %mul3A_4, %mul3A_244 : i32
        %dma_wait3A_246 = arith.constant 0 : i32
        %dma_wait3A_247 = arith.constant 0 : i32
        %dma_wait3A_248 = tpu.memref_slice %arg6[%dma_wait3A_246, %dma_wait3A_247] : memref<4x25600xf32, #tpu.memory_space<vmem>> -> memref<1x25600xf32, #tpu.memory_space<vmem>>
        %dma_wait3A_249 = tpu.memref_squeeze %dma_wait3A_248 : memref<1x25600xf32, #tpu.memory_space<vmem>> -> memref<25600xf32, #tpu.memory_space<vmem>>
        %dma_wait3A_250 = tpu.memref_slice %arg4[%add3A_245] : memref<3276800xf32, #tpu.memory_space<hbm>> -> memref<25600xf32, #tpu.memory_space<hbm>>
        %dma_wait3A_251 = tpu.memref_slice %arg4[%add3A_245] : memref<3276800xf32, #tpu.memory_space<hbm>> -> memref<25600xf32, #tpu.memory_space<hbm>>
        %dma_wait3A_252 = arith.constant 0 : i32
        %dma_wait3A_253 = tpu.memref_slice %arg6[%dma_wait3A_246, %dma_wait3A_252] : memref<4x25600xf32, #tpu.memory_space<vmem>> -> memref<1x25600xf32, #tpu.memory_space<vmem>>
        %dma_wait3A_254 = tpu.memref_squeeze %dma_wait3A_253 : memref<1x25600xf32, #tpu.memory_space<vmem>> -> memref<25600xf32, #tpu.memory_space<vmem>>
        tpu.wait_dma2 semaphore(%arg8 : memref<!tpu.dma_semaphore, #tpu.memory_space<semaphore_mem>>) src(%dma_wait3A_254 : memref<25600xf32, #tpu.memory_space<vmem>>) dst(%dma_wait3A_251 : memref<25600xf32, #tpu.memory_space<hbm>>)
      } else {
      }
      %add3A_226 = arith.constant 2 : i32
      %add3A_227 = arith.addi %add3A_103, %add3A_226 : i32
      %mul3A_228 = arith.constant 25600 : i32
      %mul3A_229 = arith.muli %add3A_227, %mul3A_228 : i32
      %add3A_230 = arith.addi %add3A_6, %mul3A_229 : i32
      %dma_start3A_231 = arith.constant 0 : i32
      %dma_start3A_232 = arith.constant 0 : i32
      %dma_start3A_233 = tpu.memref_slice %arg6[%dma_start3A_231, %dma_start3A_232] : memref<4x25600xf32, #tpu.memory_space<vmem>> -> memref<1x25600xf32, #tpu.memory_space<vmem>>
      %dma_start3A_234 = tpu.memref_squeeze %dma_start3A_233 : memref<1x25600xf32, #tpu.memory_space<vmem>> -> memref<25600xf32, #tpu.memory_space<vmem>>
      %dma_start3A_235 = tpu.memref_slice %arg2[%add3A_230] : memref<26214400xf32, #tpu.memory_space<hbm>> -> memref<25600xf32, #tpu.memory_space<hbm>>
      %dma_start3A_236 = arith.constant 0 : i32
      %dma_start3A_237 = tpu.memref_slice %arg6[%dma_start3A_231, %dma_start3A_236] : memref<4x25600xf32, #tpu.memory_space<vmem>> -> memref<1x25600xf32, #tpu.memory_space<vmem>>
      %dma_start3A_238 = tpu.memref_squeeze %dma_start3A_237 : memref<1x25600xf32, #tpu.memory_space<vmem>> -> memref<25600xf32, #tpu.memory_space<vmem>>
      %dma_start3A_239 = tpu.memref_slice %arg2[%add3A_230] : memref<26214400xf32, #tpu.memory_space<hbm>> -> memref<25600xf32, #tpu.memory_space<hbm>>
      tpu.enqueue_dma source(%dma_start3A_239 : memref<25600xf32, #tpu.memory_space<hbm>>) target(%dma_start3A_238 : memref<25600xf32, #tpu.memory_space<vmem>>) target_semaphore(%arg7 : memref<!tpu.dma_semaphore, #tpu.memory_space<semaphore_mem>>)
    } else {
    }
    %mul3A_138 = arith.constant 4 : i32
    %mul3A_139 = arith.muli %scan3A_28, %mul3A_138 : i32
    %add3A_140 = arith.constant 3 : i32
    %add3A_141 = arith.addi %mul3A_139, %add3A_140 : i32
    %mul3A_142 = arith.constant 25600 : i32
    %mul3A_143 = arith.muli %add3A_141, %mul3A_142 : i32
    %add3A_144 = arith.addi %add3A_6, %mul3A_143 : i32
    %dma_wait3A_145 = arith.constant 3 : i32
    %dma_wait3A_146 = arith.constant 0 : i32
    %dma_wait3A_147 = tpu.memref_slice %arg6[%dma_wait3A_145, %dma_wait3A_146] : memref<4x25600xf32, #tpu.memory_space<vmem>> -> memref<1x25600xf32, #tpu.memory_space<vmem>>
    %dma_wait3A_148 = tpu.memref_squeeze %dma_wait3A_147 : memref<1x25600xf32, #tpu.memory_space<vmem>> -> memref<25600xf32, #tpu.memory_space<vmem>>
    %dma_wait3A_149 = tpu.memref_slice %arg2[%add3A_144] : memref<26214400xf32, #tpu.memory_space<hbm>> -> memref<25600xf32, #tpu.memory_space<hbm>>
    %dma_wait3A_150 = arith.constant 0 : i32
    %dma_wait3A_151 = tpu.memref_slice %arg6[%dma_wait3A_145, %dma_wait3A_150] : memref<4x25600xf32, #tpu.memory_space<vmem>> -> memref<1x25600xf32, #tpu.memory_space<vmem>>
    %dma_wait3A_152 = tpu.memref_squeeze %dma_wait3A_151 : memref<1x25600xf32, #tpu.memory_space<vmem>> -> memref<25600xf32, #tpu.memory_space<vmem>>
    %dma_wait3A_153 = tpu.memref_slice %arg2[%add3A_144] : memref<26214400xf32, #tpu.memory_space<hbm>> -> memref<25600xf32, #tpu.memory_space<hbm>>
    tpu.wait_dma2 semaphore(%arg7 : memref<!tpu.dma_semaphore, #tpu.memory_space<semaphore_mem>>) src(%dma_wait3A_153 : memref<25600xf32, #tpu.memory_space<hbm>>) dst(%dma_wait3A_152 : memref<25600xf32, #tpu.memory_space<vmem>>)
    %parallel_loop3A_154 = arith.constant 0 : i32
    %parallel_loop3A_155 = arith.constant 25600 : i32
    %parallel_loop3A_156 = arith.constant 16 : i32
    scf.for %parallel_loop3A_222 = %parallel_loop3A_154 to %parallel_loop3A_155 step %parallel_loop3A_156  : i32 {
      %parallel_loop3A_223 = arith.index_cast %parallel_loop3A_222 : i32 to index
      %parallel_loop3A_224 = tpu.vector_load %arg5[%parallel_loop3A_223] {strides = array<i32>} : memref<25600xf32, #tpu.memory_space<vmem>>, vector<16xf32>,
      %parallel_loop3A_225 = vector.shape_cast %parallel_loop3A_224 : vector<16xf32> to vector<16xf32>
      %parallel_loop3A_226 = arith.constant 3 : i32
      %parallel_loop3A_227 = arith.index_cast %parallel_loop3A_226 : i32 to index
      %parallel_loop3A_228 = arith.index_cast %parallel_loop3A_222 : i32 to index
      %parallel_loop3A_229 = tpu.vector_load %arg6[%parallel_loop3A_227, %parallel_loop3A_228] {strides = array<i32>} : memref<4x25600xf32, #tpu.memory_space<vmem>>, vector<1x16xf32>,
      %parallel_loop3A_230 = vector.shape_cast %parallel_loop3A_229 : vector<1x16xf32> to vector<16xf32>
      %parallel_loop3A_231 = vector.shape_cast %parallel_loop3A_225 : vector<16xf32> to vector<1x16xf32>
      tpu.vector_store %arg6[%parallel_loop3A_227, %parallel_loop3A_228], %parallel_loop3A_231 {add = true, strides = array<i32>} : memref<4x25600xf32, #tpu.memory_space<vmem>>, vector<1x16xf32>,
    } {sc.loop_unroll_factor = 16 : i64, sc.parallel_access}
    %mul3A_157 = arith.constant 25600 : i32
    %mul3A_158 = arith.muli %add3A_141, %mul3A_157 : i32
    %add3A_159 = arith.addi %mul3A_4, %mul3A_158 : i32
    %dma_start3A_160 = arith.constant 3 : i32
    %dma_start3A_161 = arith.constant 0 : i32
    %dma_start3A_162 = tpu.memref_slice %arg6[%dma_start3A_160, %dma_start3A_161] : memref<4x25600xf32, #tpu.memory_space<vmem>> -> memref<1x25600xf32, #tpu.memory_space<vmem>>
    %dma_start3A_163 = tpu.memref_squeeze %dma_start3A_162 : memref<1x25600xf32, #tpu.memory_space<vmem>> -> memref<25600xf32, #tpu.memory_space<vmem>>
    %dma_start3A_164 = tpu.memref_slice %arg4[%add3A_159] : memref<3276800xf32, #tpu.memory_space<hbm>> -> memref<25600xf32, #tpu.memory_space<hbm>>
    %dma_start3A_165 = tpu.memref_slice %arg4[%add3A_159] : memref<3276800xf32, #tpu.memory_space<hbm>> -> memref<25600xf32, #tpu.memory_space<hbm>>
    %dma_start3A_166 = arith.constant 0 : i32
    %dma_start3A_167 = tpu.memref_slice %arg6[%dma_start3A_160, %dma_start3A_166] : memref<4x25600xf32, #tpu.memory_space<vmem>> -> memref<1x25600xf32, #tpu.memory_space<vmem>>
    %dma_start3A_168 = tpu.memref_squeeze %dma_start3A_167 : memref<1x25600xf32, #tpu.memory_space<vmem>> -> memref<25600xf32, #tpu.memory_space<vmem>>
    tpu.enqueue_dma source(%dma_start3A_168 : memref<25600xf32, #tpu.memory_space<vmem>>) target(%dma_start3A_165 : memref<25600xf32, #tpu.memory_space<hbm>>) target_semaphore(%arg8 : memref<!tpu.dma_semaphore, #tpu.memory_space<semaphore_mem>>)
    %add3A_169 = arith.constant 2 : i32
    %add3A_170 = arith.addi %add3A_141, %add3A_169 : i32
    %lt3A_171 = arith.constant 4 : i32
    %lt3A_172 = arith.cmpi slt, %add3A_170, %lt3A_171 : i32
    %convert_element_type3A_173 = arith.extui %lt3A_172 : i1 to i32
    %cond3A_174 = arith.constant 0 : i32
    %cond3A_175 = arith.cmpi ne, %convert_element_type3A_173, %cond3A_174 : i32
    scf.if %cond3A_175 {
      %ge3A = arith.constant 2 : i32
      %ge3A_222 = arith.cmpi sge, %add3A_141, %ge3A : i32
      %convert_element_type3A_223 = arith.extui %ge3A_222 : i1 to i32
      %cond3A_224 = arith.constant 0 : i32
      %cond3A_225 = arith.cmpi ne, %convert_element_type3A_223, %cond3A_224 : i32
      scf.if %cond3A_225 {
        %add3A_240 = arith.constant 2 : i32
        %add3A_241 = arith.addi %add3A_141, %add3A_240 : i32
        %sub3A = arith.constant 4 : i32
        %sub3A_242 = arith.subi %add3A_241, %sub3A : i32
        %mul3A_243 = arith.constant 25600 : i32
        %mul3A_244 = arith.muli %sub3A_242, %mul3A_243 : i32
        %add3A_245 = arith.addi %mul3A_4, %mul3A_244 : i32
        %dma_wait3A_246 = arith.constant 1 : i32
        %dma_wait3A_247 = arith.constant 0 : i32
        %dma_wait3A_248 = tpu.memref_slice %arg6[%dma_wait3A_246, %dma_wait3A_247] : memref<4x25600xf32, #tpu.memory_space<vmem>> -> memref<1x25600xf32, #tpu.memory_space<vmem>>
        %dma_wait3A_249 = tpu.memref_squeeze %dma_wait3A_248 : memref<1x25600xf32, #tpu.memory_space<vmem>> -> memref<25600xf32, #tpu.memory_space<vmem>>
        %dma_wait3A_250 = tpu.memref_slice %arg4[%add3A_245] : memref<3276800xf32, #tpu.memory_space<hbm>> -> memref<25600xf32, #tpu.memory_space<hbm>>
        %dma_wait3A_251 = tpu.memref_slice %arg4[%add3A_245] : memref<3276800xf32, #tpu.memory_space<hbm>> -> memref<25600xf32, #tpu.memory_space<hbm>>
        %dma_wait3A_252 = arith.constant 0 : i32
        %dma_wait3A_253 = tpu.memref_slice %arg6[%dma_wait3A_246, %dma_wait3A_252] : memref<4x25600xf32, #tpu.memory_space<vmem>> -> memref<1x25600xf32, #tpu.memory_space<vmem>>
        %dma_wait3A_254 = tpu.memref_squeeze %dma_wait3A_253 : memref<1x25600xf32, #tpu.memory_space<vmem>> -> memref<25600xf32, #tpu.memory_space<vmem>>
        tpu.wait_dma2 semaphore(%arg8 : memref<!tpu.dma_semaphore, #tpu.memory_space<semaphore_mem>>) src(%dma_wait3A_254 : memref<25600xf32, #tpu.memory_space<vmem>>) dst(%dma_wait3A_251 : memref<25600xf32, #tpu.memory_space<hbm>>)
      } else {
      }
      %add3A_226 = arith.constant 2 : i32
      %add3A_227 = arith.addi %add3A_141, %add3A_226 : i32
      %mul3A_228 = arith.constant 25600 : i32
      %mul3A_229 = arith.muli %add3A_227, %mul3A_228 : i32
      %add3A_230 = arith.addi %add3A_6, %mul3A_229 : i32
      %dma_start3A_231 = arith.constant 1 : i32
      %dma_start3A_232 = arith.constant 0 : i32
      %dma_start3A_233 = tpu.memref_slice %arg6[%dma_start3A_231, %dma_start3A_232] : memref<4x25600xf32, #tpu.memory_space<vmem>> -> memref<1x25600xf32, #tpu.memory_space<vmem>>
      %dma_start3A_234 = tpu.memref_squeeze %dma_start3A_233 : memref<1x25600xf32, #tpu.memory_space<vmem>> -> memref<25600xf32, #tpu.memory_space<vmem>>
      %dma_start3A_235 = tpu.memref_slice %arg2[%add3A_230] : memref<26214400xf32, #tpu.memory_space<hbm>> -> memref<25600xf32, #tpu.memory_space<hbm>>
      %dma_start3A_236 = arith.constant 0 : i32
      %dma_start3A_237 = tpu.memref_slice %arg6[%dma_start3A_231, %dma_start3A_236] : memref<4x25600xf32, #tpu.memory_space<vmem>> -> memref<1x25600xf32, #tpu.memory_space<vmem>>
      %dma_start3A_238 = tpu.memref_squeeze %dma_start3A_237 : memref<1x25600xf32, #tpu.memory_space<vmem>> -> memref<25600xf32, #tpu.memory_space<vmem>>
      %dma_start3A_239 = tpu.memref_slice %arg2[%add3A_230] : memref<26214400xf32, #tpu.memory_space<hbm>> -> memref<25600xf32, #tpu.memory_space<hbm>>
      tpu.enqueue_dma source(%dma_start3A_239 : memref<25600xf32, #tpu.memory_space<hbm>>) target(%dma_start3A_238 : memref<25600xf32, #tpu.memory_space<vmem>>) target_semaphore(%arg7 : memref<!tpu.dma_semaphore, #tpu.memory_space<semaphore_mem>>)
    } else {
    }
    %scan3A_176 = arith.constant 0 : i32
    %scan3A_177 = arith.constant 1 : i32
    %add3A_178 = arith.constant 0 : i32
    %add3A_179 = arith.addi %mul3A_4, %add3A_178 : i32
    %dma_wait3A_180 = arith.constant 0 : i32
    %dma_wait3A_181 = arith.constant 0 : i32
    %dma_wait3A_182 = tpu.memref_slice %arg6[%dma_wait3A_180, %dma_wait3A_181] : memref<4x25600xf32, #tpu.memory_space<vmem>> -> memref<1x25600xf32, #tpu.memory_space<vmem>>
    %dma_wait3A_183 = tpu.memref_squeeze %dma_wait3A_182 : memref<1x25600xf32, #tpu.memory_space<vmem>> -> memref<25600xf32, #tpu.memory_space<vmem>>
    %dma_wait3A_184 = tpu.memref_slice %arg4[%add3A_179] : memref<3276800xf32, #tpu.memory_space<hbm>> -> memref<25600xf32, #tpu.memory_space<hbm>>
    %dma_wait3A_185 = tpu.memref_slice %arg4[%add3A_179] : memref<3276800xf32, #tpu.memory_space<hbm>> -> memref<25600xf32, #tpu.memory_space<hbm>>
    %dma_wait3A_186 = arith.constant 0 : i32
    %dma_wait3A_187 = tpu.memref_slice %arg6[%dma_wait3A_180, %dma_wait3A_186] : memref<4x25600xf32, #tpu.memory_space<vmem>> -> memref<1x25600xf32, #tpu.memory_space<vmem>>
    %dma_wait3A_188 = tpu.memref_squeeze %dma_wait3A_187 : memref<1x25600xf32, #tpu.memory_space<vmem>> -> memref<25600xf32, #tpu.memory_space<vmem>>
    tpu.wait_dma2 semaphore(%arg8 : memref<!tpu.dma_semaphore, #tpu.memory_space<semaphore_mem>>) src(%dma_wait3A_188 : memref<25600xf32, #tpu.memory_space<vmem>>) dst(%dma_wait3A_185 : memref<25600xf32, #tpu.memory_space<hbm>>)
    %add3A_189 = arith.constant 25600 : i32
    %add3A_190 = arith.addi %mul3A_4, %add3A_189 : i32
    %dma_wait3A_191 = arith.constant 1 : i32
    %dma_wait3A_192 = arith.constant 0 : i32
    %dma_wait3A_193 = tpu.memref_slice %arg6[%dma_wait3A_191, %dma_wait3A_192] : memref<4x25600xf32, #tpu.memory_space<vmem>> -> memref<1x25600xf32, #tpu.memory_space<vmem>>
    %dma_wait3A_194 = tpu.memref_squeeze %dma_wait3A_193 : memref<1x25600xf32, #tpu.memory_space<vmem>> -> memref<25600xf32, #tpu.memory_space<vmem>>
    %dma_wait3A_195 = tpu.memref_slice %arg4[%add3A_190] : memref<3276800xf32, #tpu.memory_space<hbm>> -> memref<25600xf32, #tpu.memory_space<hbm>>
    %dma_wait3A_196 = tpu.memref_slice %arg4[%add3A_190] : memref<3276800xf32, #tpu.memory_space<hbm>> -> memref<25600xf32, #tpu.memory_space<hbm>>
    %dma_wait3A_197 = arith.constant 0 : i32
    %dma_wait3A_198 = tpu.memref_slice %arg6[%dma_wait3A_191, %dma_wait3A_197] : memref<4x25600xf32, #tpu.memory_space<vmem>> -> memref<1x25600xf32, #tpu.memory_space<vmem>>
    %dma_wait3A_199 = tpu.memref_squeeze %dma_wait3A_198 : memref<1x25600xf32, #tpu.memory_space<vmem>> -> memref<25600xf32, #tpu.memory_space<vmem>>
    tpu.wait_dma2 semaphore(%arg8 : memref<!tpu.dma_semaphore, #tpu.memory_space<semaphore_mem>>) src(%dma_wait3A_199 : memref<25600xf32, #tpu.memory_space<vmem>>) dst(%dma_wait3A_196 : memref<25600xf32, #tpu.memory_space<hbm>>)
    %add3A_200 = arith.constant 51200 : i32
    %add3A_201 = arith.addi %mul3A_4, %add3A_200 : i32
    %dma_wait3A_202 = arith.constant 2 : i32
    %dma_wait3A_203 = arith.constant 0 : i32
    %dma_wait3A_204 = tpu.memref_slice %arg6[%dma_wait3A_202, %dma_wait3A_203] : memref<4x25600xf32, #tpu.memory_space<vmem>> -> memref<1x25600xf32, #tpu.memory_space<vmem>>
    %dma_wait3A_205 = tpu.memref_squeeze %dma_wait3A_204 : memref<1x25600xf32, #tpu.memory_space<vmem>> -> memref<25600xf32, #tpu.memory_space<vmem>>
    %dma_wait3A_206 = tpu.memref_slice %arg4[%add3A_201] : memref<3276800xf32, #tpu.memory_space<hbm>> -> memref<25600xf32, #tpu.memory_space<hbm>>
    %dma_wait3A_207 = tpu.memref_slice %arg4[%add3A_201] : memref<3276800xf32, #tpu.memory_space<hbm>> -> memref<25600xf32, #tpu.memory_space<hbm>>
    %dma_wait3A_208 = arith.constant 0 : i32
    %dma_wait3A_209 = tpu.memref_slice %arg6[%dma_wait3A_202, %dma_wait3A_208] : memref<4x25600xf32, #tpu.memory_space<vmem>> -> memref<1x25600xf32, #tpu.memory_space<vmem>>
    %dma_wait3A_210 = tpu.memref_squeeze %dma_wait3A_209 : memref<1x25600xf32, #tpu.memory_space<vmem>> -> memref<25600xf32, #tpu.memory_space<vmem>>
    tpu.wait_dma2 semaphore(%arg8 : memref<!tpu.dma_semaphore, #tpu.memory_space<semaphore_mem>>) src(%dma_wait3A_210 : memref<25600xf32, #tpu.memory_space<vmem>>) dst(%dma_wait3A_207 : memref<25600xf32, #tpu.memory_space<hbm>>)
    %add3A_211 = arith.constant 76800 : i32
    %add3A_212 = arith.addi %mul3A_4, %add3A_211 : i32
    %dma_wait3A_213 = arith.constant 3 : i32
    %dma_wait3A_214 = arith.constant 0 : i32
    %dma_wait3A_215 = tpu.memref_slice %arg6[%dma_wait3A_213, %dma_wait3A_214] : memref<4x25600xf32, #tpu.memory_space<vmem>> -> memref<1x25600xf32, #tpu.memory_space<vmem>>
    %dma_wait3A_216 = tpu.memref_squeeze %dma_wait3A_215 : memref<1x25600xf32, #tpu.memory_space<vmem>> -> memref<25600xf32, #tpu.memory_space<vmem>>
    %dma_wait3A_217 = tpu.memref_slice %arg4[%add3A_212] : memref<3276800xf32, #tpu.memory_space<hbm>> -> memref<25600xf32, #tpu.memory_space<hbm>>
    %dma_wait3A_218 = tpu.memref_slice %arg4[%add3A_212] : memref<3276800xf32, #tpu.memory_space<hbm>> -> memref<25600xf32, #tpu.memory_space<hbm>>
    %dma_wait3A_219 = arith.constant 0 : i32
    %dma_wait3A_220 = tpu.memref_slice %arg6[%dma_wait3A_213, %dma_wait3A_219] : memref<4x25600xf32, #tpu.memory_space<vmem>> -> memref<1x25600xf32, #tpu.memory_space<vmem>>
    %dma_wait3A_221 = tpu.memref_squeeze %dma_wait3A_220 : memref<1x25600xf32, #tpu.memory_space<vmem>> -> memref<25600xf32, #tpu.memory_space<vmem>>
    tpu.wait_dma2 semaphore(%arg8 : memref<!tpu.dma_semaphore, #tpu.memory_space<semaphore_mem>>) src(%dma_wait3A_221 : memref<25600xf32, #tpu.memory_space<vmem>>) dst(%dma_wait3A_218 : memref<25600xf32, #tpu.memory_space<hbm>>)
    return
  }
}

module attributes {stable_mosaic.version = 14 : i64} {
  func.func @_tc_body(%arg0: i32, %arg1: memref<16x200x128xf32, #tpu.memory_space<vmem>>, %arg2: memref<1x200x128xf32, #tpu.memory_space<vmem>>, %arg3: memref<16x200x128xf32, #tpu.memory_space<vmem>>) attributes {dimension_semantics = [#tpu.dimension_semantics<arbitrary>], iteration_bounds = array<i64: 56>, scalar_prefetch = 0 : i64, scratch_operands = 0 : i64, tpu.core_type = #tpu.core_type<tc>, window_params = [{transform_indices = @transform_0, window_bounds = array<i64: 16, 200, 128>}, {pipeline_mode = #tpu.pipeline_mode<synchronous>, transform_indices = @transform_1, window_bounds = array<i64: 1, 200, 128>}, {transform_indices = @transform_2, window_bounds = array<i64: 16, 200, 128>}]} {
    %get3A = arith.constant 0 : index
    %get3A_0 = arith.constant 0 : index
    %get3A_1 = arith.constant 0 : index
    %get3A_2 = vector.load %arg1[%get3A, %get3A_0, %get3A_1] : memref<16x200x128xf32, #tpu.memory_space<vmem>>, vector<16x200x128xf32>
    %get3A_3 = arith.constant 0 : index
    %get3A_4 = arith.constant 0 : index
    %get3A_5 = arith.constant 0 : index
    %get3A_6 = vector.load %arg2[%get3A_3, %get3A_4, %get3A_5] : memref<1x200x128xf32, #tpu.memory_space<vmem>>, vector<1x200x128xf32>
    %add3A = vector.broadcast %get3A_6 : vector<1x200x128xf32> to vector<16x200x128xf32>
    %add3A_7 = arith.addf %get3A_2, %add3A : vector<16x200x128xf32>
    %swap3A = arith.constant 0 : index
    %swap3A_8 = arith.constant 0 : index
    %swap3A_9 = arith.constant 0 : index
    %swap3A_10 = vector.load %arg3[%swap3A, %swap3A_8, %swap3A_9] : memref<16x200x128xf32, #tpu.memory_space<vmem>>, vector<16x200x128xf32>
    tpu.vector_store %arg3[%swap3A, %swap3A_8, %swap3A_9], %add3A_7 {strides = array<i32>} : memref<16x200x128xf32, #tpu.memory_space<vmem>>, vector<16x200x128xf32>,
    return
  }
  func.func @transform_0(%arg0: i32) -> (i32, i32, i32) {
    %c0_i32 = arith.constant 0 : i32
    %c0_i32_0 = arith.constant 0 : i32
    %c0_i32_1 = arith.constant 0 : i32
    return %arg0, %c0_i32, %c0_i32_0 : i32, i32, i32
  }
  func.func @transform_1(%arg0: i32) -> (i32, i32, i32) {
    %c0_i32 = arith.constant 0 : i32
    %c0_i32_0 = arith.constant 0 : i32
    %c0_i32_1 = arith.constant 0 : i32
    %c0_i32_2 = arith.constant 0 : i32
    return %c0_i32, %c0_i32_0, %c0_i32_1 : i32, i32, i32
  }
  func.func @transform_2(%arg0: i32) -> (i32, i32, i32) {
    %c0_i32 = arith.constant 0 : i32
    %c0_i32_0 = arith.constant 0 : i32
    %c0_i32_1 = arith.constant 0 : i32
    return %arg0, %c0_i32, %c0_i32_0 : i32, i32, i32
  }
}

</mosaic_0001>

<sc_bundles>
// kernel: kernel.4.cloned.1.call-start
scs
__scs_entry_jumppad:
0x0: {  	(pc) =	sbr.rel $0x88, $3  }
0x1: {  	(tag) =	ssettag $0x0;
	lr =	simm.s32 $0x1  }
0x2: {  	[smem:$0x3F9F] =	sst lr;
	_ =	strace $0xD0000000  }
0x3: {  	_ = 	snop  }
0x4: {  	_ = 	snop  }
0x5: {  	_ = 	snop  }
0x6: {  	_ = 	snop  }
0x7: {  	_ = 	snop  }
__scs_overlays_trampoline_lowered:
0x8: {  	[smem:$0x3FAE] =	sst s0  }
0x9: {  	[smem:$0x3FAF] =	sst s1  }
0xa: {  	[smem:$0x3FB0] =	sst s2  }
0xb: {  	[smem:$0x3FB1] =	sst s3  }
0xc: {  	[smem:$0x3FB2] =	sst s4  }
0xd: {  	[smem:$0x3FB3] =	sst s5  }
0xe: {  	[smem:$0x3FB4] =	sst s6  }
0xf: {  	[smem:$0x3FB5] =	sst s7  }
0x10: {  	[smem:$0x3FB6] =	sst s8  }
0x11: {  	[smem:$0x3FB7] =	sst s9;
	s0 =	simm.s32 @!p0 $0x0  }
0x12: {  	s1 =	sld [smem:$0x3F9D];
	s0 =	simm.s32 @p0 $0x1  }
0x13: {  	[smem:$0x3FB8] =	sst s0;
	s0 =	simm.s32 @!p1 $0x0  }
0x14: {  	s2 =	sld [smem:$0x3F9C];
	s0 =	simm.s32 @p1 $0x1  }
0x15: {  	[smem:$0x3FB9] =	sst s0;
	s0 =	simm.s32 @!p2 $0x0  }
0x16: {  	s3 =	sld [smem:$0x3FDB];
	s0 =	simm.s32 @p2 $0x1  }
0x17: {  	s4 =	simm.s32 $0x1BF5;
	[smem:$0x3FBB] =	sst s0  }
0x18: {  	s0 =	sld [smem:$0x3F9E];
	_ =	swait.ge [sflag:s4], $0x0  }
0x19: {  	s7 =	sld [smem:$0x3F9F]  }
0x1a: {  	s8 =	sadd.s32 $0xFFFFE003, lr  }
0x1b: {  	s9 =	sadd.s32 $0xFFFFFEF7, lr;
	s5 =	simm.s32 $0xFFFFFFFF;
	p2 =	slt.u32 s8, $0xFFFFF086  }
0x1c: {  	p1 =	slt.u32 s9, $0xF7A;
	s5 =	simm.s32 @!p2 $0x0  }
0x1d: {  	s5 =	simm.s32 @p1 $0x1;
	p0 =	seq.s32 s7, s2  }
0x1e: {  	s7 =	smul.u32 @!p0 $0xF7A, s2;
	p2 =	seq.s32 @!p0 s5, $0x0  }
0x1f: {  	s9 =	smul.u32 $0xF7A, s1;
	s8 =	simm.s32 @!p0 $0x1BF5;
	p2 =	por !p2, p0  }
0x20: {  	[sflag:s8] =	ssyncset.s32 @!p0 $0xFFFFF086;
	s6 =	sadd.s32 @!p0 s3, s7;
	s7 =	simm.s32 @!p0 $0x108  }
0x21: {  	s3 =	sadd.s32 s3, s9;
	s6 =	sadd.s32 @!p0 $0x88, s6;
	s7 =	simm.s32 @p2 $0x1082  }
0x22: {  	[simem:s7], [sflag:s8] =	dma.local @!p0 [hbm:s6], $0xF7A  }
0x23: {  	s9 =	sor.u32 $0xD0000000, s2;
	s6 =	simm.s32 $0x108;
	_ =	swait.ge @!p0 [sflag:s8], $0x0  }
0x24: {  	s3 =	sadd.s32 $0x88, s3;
	s6 =	simm.s32 @!p1 $0x1082;
	[sflag:s4] =	ssyncset.s32 $0xFFFFF086  }
0x25: {  	[simem:s6], [sflag:s4] =	dma.local [hbm:s3], $0xF7A  }
0x26: {  	[smem:$0x3F9F] =	sst s1;
	(tag) =	ssettag s2;
	_ =	strace s9  }
0x27: {  	s1 =	sld [smem:$0x3FAF]  }
0x28: {  	s2 =	sld [smem:$0x3FB0]  }
0x29: {  	s4 =	sld [smem:$0x3FB2]  }
0x2a: {  	p0 =	seq.s32 s5, $0x0;
	s5 =	sld [smem:$0x3FB3]  }
0x2b: {  	s6 =	sld [smem:$0x3FB4]  }
0x2c: {  	s7 =	sld [smem:$0x3FB5]  }
0x2d: {  	s3 =	simm.s32 $0x108;
	s8 =	sld [smem:$0x3FB6]  }
0x2e: {  	s3 =	simm.s32 @!p0 $0x1082;
	s9 =	sld [smem:$0x3FB7]  }
0x2f: {  	lr =	sadd.s32 s0, s3;
	s0 =	sld [smem:$0x3FAE]  }
0x30: {  	s3 =	sld [smem:$0x3FB1]  }
0x31: {  	[smem:$0x3FBA] =	sst s10  }
0x32: {  	s10 =	sld [smem:$0x3FB8];
	_ =	sdelay $0x3  }
0x33: {  	p0 =	seq.s32 s10, $0x1;
	s10 =	sld [smem:$0x3FBA];
	_ =	sdelay $0x3  }
0x34: {  	[smem:$0x3FBA] =	sst s10  }
0x35: {  	s10 =	sld [smem:$0x3FB9];
	_ =	sdelay $0x3  }
0x36: {  	p1 =	seq.s32 s10, $0x1;
	s10 =	sld [smem:$0x3FBA];
	_ =	sdelay $0x3  }
0x37: {  	[smem:$0x3FBA] =	sst s10  }
0x38: {  	s10 =	sld [smem:$0x3FBB]  }
0x39: {  	_ = 	snop;
	(pc) =	sbr.ind lr, $3  }
0x3a: {  	_ = 	snop  }
0x3b: {  	_ = 	snop  }
0x3c: {  	p2 =	seq.s32 s10, $0x1;
	s10 =	sld [smem:$0x3FBA]  }
0x3d: {  	_ =	shalt  }
0x3e: {  	_ =	shalt  }
0x3f: {  	_ =	shalt  }
0x40: {  	_ =	shalt  }
0x41: {  	_ =	shalt  }
0x42: {  	_ =	shalt  }
0x43: {  	_ =	shalt  }
0x44: {  	_ =	shalt  }
0x45: {  	_ =	shalt  }
0x46: {  	_ =	shalt  }
0x47: {  	_ =	shalt  }
0x48: {  	_ =	shalt  }
0x49: {  	_ =	shalt  }
0x4a: {  	_ =	shalt  }
0x4b: {  	_ =	shalt  }
0x4c: {  	_ =	shalt  }
0x4d: {  	_ =	shalt  }
0x4e: {  	_ =	shalt  }
0x4f: {  	_ =	shalt  }
0x50: {  	_ =	shalt  }
0x51: {  	_ =	shalt  }
0x52: {  	_ =	shalt  }
0x53: {  	_ =	shalt  }
0x54: {  	_ =	shalt  }
0x55: {  	_ =	shalt  }
0x56: {  	_ =	shalt  }
0x57: {  	_ =	shalt  }
0x58: {  	_ =	shalt  }
0x59: {  	_ =	shalt  }
0x5a: {  	_ =	shalt  }
0x5b: {  	_ =	shalt  }
0x5c: {  	_ =	shalt  }
0x5d: {  	_ =	shalt  }
0x5e: {  	_ =	shalt  }
0x5f: {  	_ =	shalt  }
0x60: {  	_ =	shalt  }
0x61: {  	_ =	shalt  }
0x62: {  	_ =	shalt  }
0x63: {  	_ =	shalt  }
0x64: {  	_ =	shalt  }
0x65: {  	_ =	shalt  }
0x66: {  	_ =	shalt  }
0x67: {  	_ =	shalt  }
0x68: {  	_ =	shalt  }
0x69: {  	_ =	shalt  }
0x6a: {  	_ =	shalt  }
0x6b: {  	_ =	shalt  }
0x6c: {  	_ =	shalt  }
0x6d: {  	_ =	shalt  }
0x6e: {  	_ =	shalt  }
0x6f: {  	_ =	shalt  }
0x70: {  	_ =	shalt  }
0x71: {  	_ =	shalt  }
0x72: {  	_ =	shalt  }
0x73: {  	_ =	shalt  }
0x74: {  	_ =	shalt  }
0x75: {  	_ =	shalt  }
0x76: {  	_ =	shalt  }
0x77: {  	_ =	shalt  }
0x78: {  	_ =	shalt  }
0x79: {  	_ =	shalt  }
0x7a: {  	_ =	shalt  }
0x7b: {  	_ =	shalt  }
0x7c: {  	_ =	shalt  }
0x7d: {  	_ =	shalt  }
0x7e: {  	_ =	shalt  }
0x7f: {  	_ =	shalt  }
0x80: {  	_ =	shalt  }
0x81: {  	_ =	shalt  }
0x82: {  	_ =	shalt  }
0x83: {  	_ =	shalt  }
0x84: {  	_ =	shalt  }
0x85: {  	_ =	shalt  }
0x86: {  	_ =	shalt  }
0x87: {  	_ =	shalt  }
.Lfunc_end0:
.L_simem_size_0:
called_computation_lowered:
.L_overlay_start_0:
0x88: {  	s2 =	sld [smem:$0x3FD9]  }
0x89: {  	s3 =	sld [smem:$0x3FFE];
	_ =	sdelay $0x1  }
0x8a: {  	s1 =	srdreg.scid  }
0x8b: {  	s0 =	sand.u32 $0x1, s1  }
0x8c: {  	s17 =	sshll.u32 s0, $0xA;
	s2 =	sadd.s32 s3, s2  }
0x8d: {  	s2 =	sadd.s32 s2, s17  }
0x8e: {  	[smem:$0x3FC6] =	sst s2  }
0x8f: {  	_ = 	snop  }
0x90: {  	s2 =	sld [smem:$0x3FC9];
	(tm) =	ssettm $0x1  }
0x91: {  	s18 =	sld [smem:$0x3FFB];
	_ =	sdelay $0x3  }
0x92: {  	_ =	strace s18  }
0x93: {  	s3 =	sld [smem:$0x3FFC];
	_ =	sdelay $0x3  }
0x94: {  	_ =	strace s3  }
0x95: {  	s3 =	sld [smem:$0x3FFD];
	_ =	sdelay $0x3  }
0x96: {  	_ =	strace s3  }
0x97: {  	_ =	strace $0x8FFFFFFF  }
0x98: {  	s19 =	sld [smem:$0x3FDB];
	_ =	sdelay $0x1  }
0x99: {  	s4 =	simm.s32 $_scs_section_size  }
0x9a: {  	s5 =	simm.s32 $_size__tile_overlayer_lowered;
	s6 =	simm.s32 $_tile_overlayer_lowered  }
0x9b: {  	s22 =	simm.s32 $0x1BFF;
	s21 =	sshll.u32 s6, $0x1;
	s3 =	sadd.s32 s4, s19  }
0x9c: {  	s7 =	simm.s32 $0x0;
	s20 =	sshll.u32 s5, $0x1;
	s5 =	sadd.s32 s21, s3  }
0x9d: {  	[timem:s7], [sflag:s22] =	dma.local [hbm:s5], s20  }
0x9e: {  	_ =	swait.ge [sflag:s22], s20  }
0x9f: {  	s4 =	ssub.s32 $0x0, s20;
	[sflag:s22] =	ssyncset.done $0x0  }
0xa0: {  	[sflag:s22] =	ssyncadd.s32 s4;
	_ =	sdelay $0x1  }
0xa1: {  	s23 =	simm.s32 $0x1B8B  }
0xa2: {  	_ =	swait.ge [sflag:s23], $0x1  }
0xa3: {  	[sflag:s23] =	ssyncset.done $0x0  }
0xa4: {  	s25 =	simm.s32 $0x1B8E;
	s24 =	sld [smem:$0x3FFE];
	[sflag:s23] =	ssyncadd.s32 $0xFFFFFFFF  }
0xa5: {  	s26 =	simm.s32 $execute0_lowered;
	[smem:$0x3FD2] =	sst s25  }
0xa6: {  	s5 =	sshll.u32 s26, $0x1;
	_ =	strace $0x80000046;
	[dreg:$0x1] =	wrdreg $0xFFFFFFFF  }
0xa7: {  	s28 =	simm.s32 $_size_execute0_lowered;
	s3 =	sadd.s32 s3, s5;
	[dreg:$0x0] =	wrdreg $0x0  }
0xa8: {  	s5 =	sshll.u32 s28, $0x1;
	[dreg:$0x2] =	wrdreg s3  }
0xa9: {  	[dreg:$0x3] =	wrdreg s5  }
0xaa: {  	[dreg:$0x4] =	wrdreg $0xC0  }
0xab: {  	_ =	task [dreg:s7], $0x5FFFF  }
0xac: {  	[dreg:$0x1] =	wrdreg $0xFFFFFFFF  }
0xad: {  	[dreg:$0x0] =	wrdreg $0x60  }
0xae: {  	[dreg:$0x2] =	wrdreg s2  }
0xaf: {  	[dreg:$0x3] =	wrdreg s24  }
0xb0: {  	[dreg:$0x4] =	wrdreg $0x9  }
0xb1: {  	_ =	task.clear_ibuf [dreg:s7], $0x5FFFF;
	_ =	strace $0x90000046  }
0xb2: {  	s29 =	simm.s32 $0x9;
	_ =	strace $0x80000048  }
0xb3: {  	_ =	swait.ge [sflag:s29], $0x1  }
0xb4: {  	[sflag:s29] =	ssyncadd.s32 $0xFFFFFFFF  }
0xb5: {  	_ =	strace $0x90000048  }
0xb6: {  	_ =	sfence  }
0xb7: {  	s30 =	sld [smem:$0x0];
	_ =	sdelay $0x2  }
0xb8: {  	s31 =	sshll.u32 s1, $0xD;
	s1 =	sshrl.u32 s1, $0x2  }
0xb9: {  	s3 =	sand.u32 $0x4000, s31;
	s1 =	sadd.s32 s1, s30  }
0xba: {  	s0 =	sor.u32 s3, s0;
	s1 =	sshll.u32 s1, $0x11  }
0xbb: {  	s0 =	sor.u32 s1, s0  }
0xbc: {  	s0 =	sadd.s32 $0x8F2B, s0  }
0xbd: {  	[sflag:s0] =	ssyncadd.remote.s32 $0x1  }
0xbe: {  	_ =	sfence.sel $0xFFFF  }
0xbf: {  	[dreg:$0x0] =	wrdreg $0xFFFFFFFF;
	(pc) =	sbr.abs _section_cstart, $3  }
0xc0: {  	[dreg:$0x1] =	wrdreg $0xFFFFFFFF  }
0xc1: {  	_ =	task.clear_ibuf [dreg:s7], $0x2FFFF;
	_ =	strace $0x9FFFFFFF  }
0xc2: {  	(tm) =	ssettm $0x7FFFFFFF  }
0xc3: {  	_ =	shalt  }
tec
execute0_lowered:
.L_overlay_start_1:
0x0: {  	(tag) =	ssettag $0x1  }
0x1: {  	s1 =	srdreg.scid;
	s4 =	rddreg [dreg:$0x0]  }
0x2: {  	s0 =	stileid.u32;
	s5 =	rddreg [dreg:$0x1];
	s2 =	simm.s32 $0x0  }
0x3: {  	s13 =	simm.s32 $0x3;
	s3 =	sand.u32 $0x1, s1;
	s31 =	sshll.u32 s0, $0x1  }
0x4: {  	s14 =	simm.s32 $0x1;
	s15 =	simm.s32 $0x2;
	s6 =	sor.u32 s3, s31  }
0x5: {  	s1 =	rddreg [dreg:$0x2];
	s7 =	ssub.s32 $0x2, s3;
	s6 =	smul.u32 $0x19000, s6  }
0x6: {  	s16 =	simm.s32 $0x0;
	[smem:$0x7FF] =	sst s2;
	s8 =	sshrl.u32 s7, $0x1  }
0x7: {  	_ =	strace $0x80000047;
	s12 =	ssub.s32 s7, s8;
	s6 =	sshrl.u32 s6, $0x3  }
0x8: {  	s3 =	sadd.s32 $0x600, s5;
	s12 =	smax.u32 s12, $0x1;
	s9 =	sadd.s32 s4, s6  }
0x9: {  	s11 =	sadd.s32 s6, s5;
	s4 =	sadd.s32 $0x2BCC80, s9;
	s5 =	sadd.s32 $0x2BC000, s9  }
0xa: {  	s6 =	sadd.s32 $0x1400, s11;
	s7 =	sadd.s32 $0x2BD900, s9;
	s8 =	sadd.s32 $0x2080, s11  }
0xb: {  	s9 =	sadd.s32 $0x2BE580, s9;
	s10 =	sadd.s32 $0x2D00, s11;
	s11 =	sadd.s32 $0x3980, s11  }
.LBB2_1:
0xc: {  	[tilespmem:s2], [sflag:$0x3] =	stream.linear.gather [hbm4b:s3+s2], $0x6400, $0x38;
	[tilespmem:$0x1F400] =	vst v63  }
0xd: {  	_ =	swait.ge [sflag:s13], $0x6400  }
0xe: {  	s17 =	simm.s32 $0x6400;
	s18 =	simm.s32 $0x10;
	[sflag:s13] =	ssyncset.done $0x0  }
0xf: {  	s20 =	sadd.s32 $0x0, s5;
	s19 =	simm.s32 $0x6600;
	[sflag:s13] =	ssyncadd.s32 $0xFFFF9C00  }
.LBB2_2:
0x10: {  	[tilespmem:s17], [sflag:$0x1] =	stream.linear.gather [hbm4b:s20+s2], $0x80, $0x38;
	[tilespmem:$0x1F400] =	vst v63  }
0x11: {  	s20 =	smov.u32 s18;
	s17 =	smov.u32 s19;
	p0 =	sne.s32 s18, $0xC70  }
.Ltmp0:
0x12: {  	s18 =	sadd.s32 $0x10, s18;
	(pc) =	sbr.rel @p0 .LBB2_2-.Ltmp0, $2  }
0x13: {  	_ =	sdelay $0x2  }
0x14: {  	s19 =	sadd.s32 $0x200, s19;
	s20 =	sadd.s32 s20, s5  }
0x15: {  	[tilespmem:s17], [sflag:$0x1] =	stream.linear.gather [hbm4b:s20+s2], $0x80, $0x38;
	[tilespmem:$0x1F400] =	vst v63  }
0x16: {  	s17 =	simm.s32 $0x6480  }
0x17: {  	s18 =	simm.s32 $0x10;
	s20 =	sadd.s32 $0x0, s4;
	s19 =	simm.s32 $0x6680  }
.LBB2_4:
0x18: {  	[tilespmem:s17], [sflag:$0x1] =	stream.linear.gather [hbm4b:s20+s2], $0x80, $0x38;
	[tilespmem:$0x1F400] =	vst v63  }
0x19: {  	s20 =	smov.u32 s18;
	s17 =	smov.u32 s19;
	p0 =	sne.s32 s18, $0xC70  }
.Ltmp1:
0x1a: {  	s18 =	sadd.s32 $0x10, s18;
	(pc) =	sbr.rel @p0 .LBB2_4-.Ltmp1, $2  }
0x1b: {  	_ =	sdelay $0x2  }
0x1c: {  	s19 =	sadd.s32 $0x200, s19;
	s20 =	sadd.s32 s20, s4  }
0x1d: {  	[tilespmem:s17], [sflag:$0x1] =	stream.linear.gather [hbm4b:s20+s2], $0x80, $0x38;
	[tilespmem:$0x1F400] =	vst v63  }
0x1e: {  	_ =	swait.ge [sflag:s14], $0x6400  }
0x1f: {  	[sflag:s14] =	ssyncset.done $0x0  }
0x20: {  	s18 =	simm.s32 $0x80;
	[sflag:s14] =	ssyncadd.s32 $0xFFFF9C00  }
0x21: {  	v0 =	vld [tilespmem:s18+$0x70]  }
0x22: {  	v1 =	vld [tilespmem:s18+$0xFFFFFF90]  }
0x23: {  	v2 =	vld [tilespmem:s18+$0xFFFFFFA0]  }
0x24: {  	v3 =	vld [tilespmem:s18+$0xFFFFFFB0]  }
0x25: {  	v4 =	vld [tilespmem:s18+$0xFFFFFFC0]  }
0x26: {  	v63 =	vld [tilespmem:s18+$0xFFFFFFD0]  }
0x27: {  	v5 =	vld [tilespmem:s18+$0xFFFFFFE0]  }
0x28: {  	v6 =	vld [tilespmem:s18+$0xFFFFFFF0]  }
0x29: {  	v7 =	vld [tilespmem:s18+$0x0]  }
0x2a: {  	v8 =	vld [tilespmem:s18+$0x10]  }
0x2b: {  	v9 =	vld [tilespmem:s18+$0x20]  }
0x2c: {  	v10 =	vld [tilespmem:s18+$0x30]  }
0x2d: {  	v11 =	vld [tilespmem:s18+$0x40]  }
0x2e: {  	v12 =	vld [tilespmem:s18+$0x50]  }
0x2f: {  	v13 =	vld [tilespmem:s18+$0x60]  }
0x30: {  	s17 =	simm.s32 $0x6670;
	v14 =	vld [tilespmem:s18+$0xFFFFFF80]  }
0x31: {  	[tilespmem:s17+$0x0] =	vst.add.f32.msk $0xffff, v0  }
0x32: {  	[tilespmem:s17+$0xFFFFFDA0] =	vst.add.f32.msk $0xffff, v1  }
0x33: {  	[tilespmem:s17+$0xFFFFFDB0] =	vst.add.f32.msk $0xffff, v2  }
0x34: {  	[tilespmem:s17+$0xFFFFFDC0] =	vst.add.f32.msk $0xffff, v3  }
0x35: {  	[tilespmem:s17+$0xFFFFFDD0] =	vst.add.f32.msk $0xffff, v4  }
0x36: {  	[tilespmem:s17+$0xFFFFFD90] =	vst.add.f32.msk $0xffff, v14  }
0x37: {  	[tilespmem:s17+$0xFFFFFDE0] =	vst.add.f32.msk $0xffff, v63  }
0x38: {  	[tilespmem:s17+$0xFFFFFDF0] =	vst.add.f32.msk $0xffff, v5  }
0x39: {  	[tilespmem:s17+$0xFFFFFE00] =	vst.add.f32.msk $0xffff, v6  }
0x3a: {  	[tilespmem:s17+$0xFFFFFF90] =	vst.add.f32.msk $0xffff, v7  }
0x3b: {  	[tilespmem:s17+$0xFFFFFFA0] =	vst.add.f32.msk $0xffff, v8  }
0x3c: {  	[tilespmem:s17+$0xFFFFFFB0] =	vst.add.f32.msk $0xffff, v9  }
0x3d: {  	[tilespmem:s17+$0xFFFFFFC0] =	vst.add.f32.msk $0xffff, v10  }
0x3e: {  	[tilespmem:s17+$0xFFFFFFD0] =	vst.add.f32.msk $0xffff, v11  }
0x3f: {  	[tilespmem:s17+$0xFFFFFFE0] =	vst.add.f32.msk $0xffff, v12  }
0x40: {  	s19 =	simm.s32 $0x180;
	s18 =	simm.s32 $0x0;
	[tilespmem:s17+$0xFFFFFFF0] =	vst.add.f32.msk $0xffff, v13  }
.LBB2_6:
0x41: {  	v0 =	vld [tilespmem:s19+$0x70];
	s18 =	sadd.s32 $0x100, s18  }
0x42: {  	v1 =	vld [tilespmem:s19+$0xFFFFFF90];
	p0 =	slt.u32 s18, $0x6300  }
0x43: {  	v2 =	vld [tilespmem:s19+$0xFFFFFFA0]  }
0x44: {  	v3 =	vld [tilespmem:s19+$0xFFFFFFB0]  }
0x45: {  	s17 =	sadd.s32 $0x400, s17;
	v4 =	vld [tilespmem:s19+$0xFFFFFFC0]  }
0x46: {  	[tilespmem:s17+$0x0] =	vst.add.f32.msk $0xffff, v0  }
0x47: {  	v0 =	vld [tilespmem:s19+$0xFFFFFFD0]  }
0x48: {  	v5 =	vld [tilespmem:s19+$0xFFFFFFE0]  }
0x49: {  	v6 =	vld [tilespmem:s19+$0xFFFFFFF0]  }
0x4a: {  	v7 =	vld [tilespmem:s19+$0x0]  }
0x4b: {  	v8 =	vld [tilespmem:s19+$0x10]  }
0x4c: {  	v9 =	vld [tilespmem:s19+$0x20]  }
0x4d: {  	v10 =	vld [tilespmem:s19+$0x30]  }
0x4e: {  	v11 =	vld [tilespmem:s19+$0x40]  }
0x4f: {  	v12 =	vld [tilespmem:s19+$0x50]  }
0x50: {  	v13 =	vld [tilespmem:s19+$0x60]  }
0x51: {  	v14 =	vld [tilespmem:s19+$0xFFFFFF80]  }
0x52: {  	[tilespmem:s17+$0xFFFFFDA0] =	vst.add.f32.msk $0xffff, v1  }
0x53: {  	[tilespmem:s17+$0xFFFFFDB0] =	vst.add.f32.msk $0xffff, v2  }
0x54: {  	[tilespmem:s17+$0xFFFFFDC0] =	vst.add.f32.msk $0xffff, v3  }
0x55: {  	[tilespmem:s17+$0xFFFFFDD0] =	vst.add.f32.msk $0xffff, v4  }
0x56: {  	[tilespmem:s17+$0xFFFFFD90] =	vst.add.f32.msk $0xffff, v14  }
0x57: {  	[tilespmem:s17+$0xFFFFFDE0] =	vst.add.f32.msk $0xffff, v0  }
0x58: {  	[tilespmem:s17+$0xFFFFFDF0] =	vst.add.f32.msk $0xffff, v5  }
0x59: {  	[tilespmem:s17+$0xFFFFFE00] =	vst.add.f32.msk $0xffff, v6  }
0x5a: {  	[tilespmem:s17+$0xFFFFFF90] =	vst.add.f32.msk $0xffff, v7  }
0x5b: {  	[tilespmem:s17+$0xFFFFFFA0] =	vst.add.f32.msk $0xffff, v8  }
.Ltmp2:
0x5c: {  	[tilespmem:s17+$0xFFFFFFB0] =	vst.add.f32.msk $0xffff, v9;
	(pc) =	sbr.rel @p0 .LBB2_6-.Ltmp2, $4  }
0x5d: {  	[tilespmem:s17+$0xFFFFFFC0] =	vst.add.f32.msk $0xffff, v10  }
0x5e: {  	[tilespmem:s17+$0xFFFFFFD0] =	vst.add.f32.msk $0xffff, v11  }
0x5f: {  	[tilespmem:s17+$0xFFFFFFE0] =	vst.add.f32.msk $0xffff, v12  }
0x60: {  	s19 =	sadd.s32 $0x100, s19;
	[tilespmem:s17+$0xFFFFFFF0] =	vst.add.f32.msk $0xffff, v13  }
0x61: {  	s17 =	simm.s32 $0x6400  }
0x62: {  	s18 =	simm.s32 $0x10;
	s20 =	sadd.s32 $0x0, s6;
	s19 =	simm.s32 $0x6600  }
.LBB2_8:
0x63: {  	[hbm4b:s20+s2] =	stream.linear.scatter [tilespmem:s17], [sflag:$0x2], $0x80, $0x38;
	[tilespmem:$0x1F400] =	vst v63  }
0x64: {  	s20 =	smov.u32 s18;
	s17 =	smov.u32 s19;
	p0 =	sne.s32 s18, $0xC70  }
.Ltmp3:
0x65: {  	s18 =	sadd.s32 $0x10, s18;
	(pc) =	sbr.rel @p0 .LBB2_8-.Ltmp3, $2  }
0x66: {  	_ =	sdelay $0x2  }
0x67: {  	s19 =	sadd.s32 $0x200, s19;
	s20 =	sadd.s32 s20, s6  }
0x68: {  	[hbm4b:s20+s2] =	stream.linear.scatter [tilespmem:s17], [sflag:$0x2], $0x80, $0x38;
	[tilespmem:$0x1F400] =	vst v63  }
0x69: {  	s17 =	simm.s32 $0x6500  }
0x6a: {  	s18 =	simm.s32 $0x10;
	s20 =	sadd.s32 $0x0, s7;
	s19 =	simm.s32 $0x6700  }
.LBB2_10:
0x6b: {  	[tilespmem:s17], [sflag:$0x1] =	stream.linear.gather [hbm4b:s20+s2], $0x80, $0x38;
	[tilespmem:$0x1F400] =	vst v63  }
0x6c: {  	s20 =	smov.u32 s18;
	s17 =	smov.u32 s19;
	p0 =	sne.s32 s18, $0xC70  }
.Ltmp4:
0x6d: {  	s18 =	sadd.s32 $0x10, s18;
	(pc) =	sbr.rel @p0 .LBB2_10-.Ltmp4, $2  }
0x6e: {  	_ =	sdelay $0x2  }
0x6f: {  	s19 =	sadd.s32 $0x200, s19;
	s20 =	sadd.s32 s20, s7  }
0x70: {  	[tilespmem:s17], [sflag:$0x1] =	stream.linear.gather [hbm4b:s20+s2], $0x80, $0x38;
	[tilespmem:$0x1F400] =	vst v63  }
0x71: {  	_ =	swait.ge [sflag:s14], $0x6400  }
0x72: {  	[sflag:s14] =	ssyncset.done $0x0  }
0x73: {  	s18 =	simm.s32 $0x80;
	[sflag:s14] =	ssyncadd.s32 $0xFFFF9C00  }
0x74: {  	v0 =	vld [tilespmem:s18+$0x70]  }
0x75: {  	v1 =	vld [tilespmem:s18+$0xFFFFFF90]  }
0x76: {  	v2 =	vld [tilespmem:s18+$0xFFFFFFA0]  }
0x77: {  	v3 =	vld [tilespmem:s18+$0xFFFFFFB0]  }
0x78: {  	v4 =	vld [tilespmem:s18+$0xFFFFFFC0]  }
0x79: {  	v63 =	vld [tilespmem:s18+$0xFFFFFFD0]  }
0x7a: {  	v5 =	vld [tilespmem:s18+$0xFFFFFFE0]  }
0x7b: {  	v6 =	vld [tilespmem:s18+$0xFFFFFFF0]  }
0x7c: {  	v7 =	vld [tilespmem:s18+$0x0]  }
0x7d: {  	v8 =	vld [tilespmem:s18+$0x10]  }
0x7e: {  	v9 =	vld [tilespmem:s18+$0x20]  }
0x7f: {  	v10 =	vld [tilespmem:s18+$0x30]  }
0x80: {  	v11 =	vld [tilespmem:s18+$0x40]  }
0x81: {  	v12 =	vld [tilespmem:s18+$0x50]  }
0x82: {  	v13 =	vld [tilespmem:s18+$0x60]  }
0x83: {  	s17 =	simm.s32 $0x66F0;
	v14 =	vld [tilespmem:s18+$0xFFFFFF80]  }
0x84: {  	[tilespmem:s17+$0x0] =	vst.add.f32.msk $0xffff, v0  }
0x85: {  	[tilespmem:s17+$0xFFFFFDA0] =	vst.add.f32.msk $0xffff, v1  }
0x86: {  	[tilespmem:s17+$0xFFFFFDB0] =	vst.add.f32.msk $0xffff, v2  }
0x87: {  	[tilespmem:s17+$0xFFFFFDC0] =	vst.add.f32.msk $0xffff, v3  }
0x88: {  	[tilespmem:s17+$0xFFFFFDD0] =	vst.add.f32.msk $0xffff, v4  }
0x89: {  	[tilespmem:s17+$0xFFFFFD90] =	vst.add.f32.msk $0xffff, v14  }
0x8a: {  	[tilespmem:s17+$0xFFFFFDE0] =	vst.add.f32.msk $0xffff, v63  }
0x8b: {  	[tilespmem:s17+$0xFFFFFDF0] =	vst.add.f32.msk $0xffff, v5  }
0x8c: {  	[tilespmem:s17+$0xFFFFFE00] =	vst.add.f32.msk $0xffff, v6  }
0x8d: {  	[tilespmem:s17+$0xFFFFFF90] =	vst.add.f32.msk $0xffff, v7  }
0x8e: {  	[tilespmem:s17+$0xFFFFFFA0] =	vst.add.f32.msk $0xffff, v8  }
0x8f: {  	[tilespmem:s17+$0xFFFFFFB0] =	vst.add.f32.msk $0xffff, v9  }
0x90: {  	[tilespmem:s17+$0xFFFFFFC0] =	vst.add.f32.msk $0xffff, v10  }
0x91: {  	[tilespmem:s17+$0xFFFFFFD0] =	vst.add.f32.msk $0xffff, v11  }
0x92: {  	[tilespmem:s17+$0xFFFFFFE0] =	vst.add.f32.msk $0xffff, v12  }
0x93: {  	s19 =	simm.s32 $0x180;
	s18 =	simm.s32 $0x0;
	[tilespmem:s17+$0xFFFFFFF0] =	vst.add.f32.msk $0xffff, v13  }
.LBB2_12:
0x94: {  	v0 =	vld [tilespmem:s19+$0x70];
	s18 =	sadd.s32 $0x100, s18  }
0x95: {  	v1 =	vld [tilespmem:s19+$0xFFFFFF90];
	p0 =	slt.u32 s18, $0x6300  }
0x96: {  	v2 =	vld [tilespmem:s19+$0xFFFFFFA0]  }
0x97: {  	v3 =	vld [tilespmem:s19+$0xFFFFFFB0]  }
0x98: {  	s17 =	sadd.s32 $0x400, s17;
	v4 =	vld [tilespmem:s19+$0xFFFFFFC0]  }
0x99: {  	[tilespmem:s17+$0x0] =	vst.add.f32.msk $0xffff, v0  }
0x9a: {  	v0 =	vld [tilespmem:s19+$0xFFFFFFD0]  }
0x9b: {  	v5 =	vld [tilespmem:s19+$0xFFFFFFE0]  }
0x9c: {  	v6 =	vld [tilespmem:s19+$0xFFFFFFF0]  }
0x9d: {  	v7 =	vld [tilespmem:s19+$0x0]  }
0x9e: {  	v8 =	vld [tilespmem:s19+$0x10]  }
0x9f: {  	v9 =	vld [tilespmem:s19+$0x20]  }
0xa0: {  	v10 =	vld [tilespmem:s19+$0x30]  }
0xa1: {  	v11 =	vld [tilespmem:s19+$0x40]  }
0xa2: {  	v12 =	vld [tilespmem:s19+$0x50]  }
0xa3: {  	v13 =	vld [tilespmem:s19+$0x60]  }
0xa4: {  	v14 =	vld [tilespmem:s19+$0xFFFFFF80]  }
0xa5: {  	[tilespmem:s17+$0xFFFFFDA0] =	vst.add.f32.msk $0xffff, v1  }
0xa6: {  	[tilespmem:s17+$0xFFFFFDB0] =	vst.add.f32.msk $0xffff, v2  }
0xa7: {  	[tilespmem:s17+$0xFFFFFDC0] =	vst.add.f32.msk $0xffff, v3  }
0xa8: {  	[tilespmem:s17+$0xFFFFFDD0] =	vst.add.f32.msk $0xffff, v4  }
0xa9: {  	[tilespmem:s17+$0xFFFFFD90] =	vst.add.f32.msk $0xffff, v14  }
0xaa: {  	[tilespmem:s17+$0xFFFFFDE0] =	vst.add.f32.msk $0xffff, v0  }
0xab: {  	[tilespmem:s17+$0xFFFFFDF0] =	vst.add.f32.msk $0xffff, v5  }
0xac: {  	[tilespmem:s17+$0xFFFFFE00] =	vst.add.f32.msk $0xffff, v6  }
0xad: {  	[tilespmem:s17+$0xFFFFFF90] =	vst.add.f32.msk $0xffff, v7  }
0xae: {  	[tilespmem:s17+$0xFFFFFFA0] =	vst.add.f32.msk $0xffff, v8  }
.Ltmp5:
0xaf: {  	[tilespmem:s17+$0xFFFFFFB0] =	vst.add.f32.msk $0xffff, v9;
	(pc) =	sbr.rel @p0 .LBB2_12-.Ltmp5, $4  }
0xb0: {  	[tilespmem:s17+$0xFFFFFFC0] =	vst.add.f32.msk $0xffff, v10  }
0xb1: {  	[tilespmem:s17+$0xFFFFFFD0] =	vst.add.f32.msk $0xffff, v11  }
0xb2: {  	[tilespmem:s17+$0xFFFFFFE0] =	vst.add.f32.msk $0xffff, v12  }
0xb3: {  	s19 =	sadd.s32 $0x100, s19;
	[tilespmem:s17+$0xFFFFFFF0] =	vst.add.f32.msk $0xffff, v13  }
0xb4: {  	s17 =	simm.s32 $0x6480  }
0xb5: {  	s18 =	simm.s32 $0x10;
	s20 =	sadd.s32 $0x0, s8;
	s19 =	simm.s32 $0x6680  }
.LBB2_14:
0xb6: {  	[hbm4b:s20+s2] =	stream.linear.scatter [tilespmem:s17], [sflag:$0x2], $0x80, $0x38;
	[tilespmem:$0x1F400] =	vst v63  }
0xb7: {  	s20 =	smov.u32 s18;
	s17 =	smov.u32 s19;
	p0 =	sne.s32 s18, $0xC70  }
.Ltmp6:
0xb8: {  	s18 =	sadd.s32 $0x10, s18;
	(pc) =	sbr.rel @p0 .LBB2_14-.Ltmp6, $2  }
0xb9: {  	_ =	sdelay $0x2  }
0xba: {  	s19 =	sadd.s32 $0x200, s19;
	s20 =	sadd.s32 s20, s8  }
0xbb: {  	[hbm4b:s20+s2] =	stream.linear.scatter [tilespmem:s17], [sflag:$0x2], $0x80, $0x38;
	[tilespmem:$0x1F400] =	vst v63  }
0xbc: {  	s17 =	simm.s32 $0x6580  }
0xbd: {  	s18 =	simm.s32 $0x10;
	s20 =	sadd.s32 $0x0, s9;
	s19 =	simm.s32 $0x6780  }
.LBB2_16:
0xbe: {  	[tilespmem:s17], [sflag:$0x1] =	stream.linear.gather [hbm4b:s20+s2], $0x80, $0x38;
	[tilespmem:$0x1F400] =	vst v63  }
0xbf: {  	s20 =	smov.u32 s18;
	s17 =	smov.u32 s19;
	p0 =	sne.s32 s18, $0xC70  }
.Ltmp7:
0xc0: {  	s18 =	sadd.s32 $0x10, s18;
	(pc) =	sbr.rel @p0 .LBB2_16-.Ltmp7, $2  }
0xc1: {  	_ =	sdelay $0x2  }
0xc2: {  	s19 =	sadd.s32 $0x200, s19;
	s20 =	sadd.s32 s20, s9  }
0xc3: {  	[tilespmem:s17], [sflag:$0x1] =	stream.linear.gather [hbm4b:s20+s2], $0x80, $0x38;
	[tilespmem:$0x1F400] =	vst v63  }
0xc4: {  	_ =	swait.ge [sflag:s14], $0x6400  }
0xc5: {  	[sflag:s14] =	ssyncset.done $0x0  }
0xc6: {  	s18 =	simm.s32 $0x80;
	[sflag:s14] =	ssyncadd.s32 $0xFFFF9C00  }
0xc7: {  	v0 =	vld [tilespmem:s18+$0x70]  }
0xc8: {  	v1 =	vld [tilespmem:s18+$0xFFFFFF90]  }
0xc9: {  	v2 =	vld [tilespmem:s18+$0xFFFFFFA0]  }
0xca: {  	v3 =	vld [tilespmem:s18+$0xFFFFFFB0]  }
0xcb: {  	v4 =	vld [tilespmem:s18+$0xFFFFFFC0]  }
0xcc: {  	v63 =	vld [tilespmem:s18+$0xFFFFFFD0]  }
0xcd: {  	v5 =	vld [tilespmem:s18+$0xFFFFFFE0]  }
0xce: {  	v6 =	vld [tilespmem:s18+$0xFFFFFFF0]  }
0xcf: {  	v7 =	vld [tilespmem:s18+$0x0]  }
0xd0: {  	v8 =	vld [tilespmem:s18+$0x10]  }
0xd1: {  	v9 =	vld [tilespmem:s18+$0x20]  }
0xd2: {  	v10 =	vld [tilespmem:s18+$0x30]  }
0xd3: {  	v11 =	vld [tilespmem:s18+$0x40]  }
0xd4: {  	v12 =	vld [tilespmem:s18+$0x50]  }
0xd5: {  	v13 =	vld [tilespmem:s18+$0x60]  }
0xd6: {  	s17 =	simm.s32 $0x6770;
	v14 =	vld [tilespmem:s18+$0xFFFFFF80]  }
0xd7: {  	[tilespmem:s17+$0x0] =	vst.add.f32.msk $0xffff, v0  }
0xd8: {  	[tilespmem:s17+$0xFFFFFDA0] =	vst.add.f32.msk $0xffff, v1  }
0xd9: {  	[tilespmem:s17+$0xFFFFFDB0] =	vst.add.f32.msk $0xffff, v2  }
0xda: {  	[tilespmem:s17+$0xFFFFFDC0] =	vst.add.f32.msk $0xffff, v3  }
0xdb: {  	[tilespmem:s17+$0xFFFFFDD0] =	vst.add.f32.msk $0xffff, v4  }
0xdc: {  	[tilespmem:s17+$0xFFFFFD90] =	vst.add.f32.msk $0xffff, v14  }
0xdd: {  	[tilespmem:s17+$0xFFFFFDE0] =	vst.add.f32.msk $0xffff, v63  }
0xde: {  	[tilespmem:s17+$0xFFFFFDF0] =	vst.add.f32.msk $0xffff, v5  }
0xdf: {  	[tilespmem:s17+$0xFFFFFE00] =	vst.add.f32.msk $0xffff, v6  }
0xe0: {  	[tilespmem:s17+$0xFFFFFF90] =	vst.add.f32.msk $0xffff, v7  }
0xe1: {  	[tilespmem:s17+$0xFFFFFFA0] =	vst.add.f32.msk $0xffff, v8  }
0xe2: {  	[tilespmem:s17+$0xFFFFFFB0] =	vst.add.f32.msk $0xffff, v9  }
0xe3: {  	[tilespmem:s17+$0xFFFFFFC0] =	vst.add.f32.msk $0xffff, v10  }
0xe4: {  	[tilespmem:s17+$0xFFFFFFD0] =	vst.add.f32.msk $0xffff, v11  }
0xe5: {  	[tilespmem:s17+$0xFFFFFFE0] =	vst.add.f32.msk $0xffff, v12  }
0xe6: {  	s19 =	simm.s32 $0x180;
	s18 =	simm.s32 $0x0;
	[tilespmem:s17+$0xFFFFFFF0] =	vst.add.f32.msk $0xffff, v13  }
.LBB2_18:
0xe7: {  	v0 =	vld [tilespmem:s19+$0x70];
	s18 =	sadd.s32 $0x100, s18  }
0xe8: {  	v1 =	vld [tilespmem:s19+$0xFFFFFF90];
	p0 =	slt.u32 s18, $0x6300  }
0xe9: {  	v2 =	vld [tilespmem:s19+$0xFFFFFFA0]  }
0xea: {  	v3 =	vld [tilespmem:s19+$0xFFFFFFB0]  }
0xeb: {  	s17 =	sadd.s32 $0x400, s17;
	v4 =	vld [tilespmem:s19+$0xFFFFFFC0]  }
0xec: {  	[tilespmem:s17+$0x0] =	vst.add.f32.msk $0xffff, v0  }
0xed: {  	v0 =	vld [tilespmem:s19+$0xFFFFFFD0]  }
0xee: {  	v5 =	vld [tilespmem:s19+$0xFFFFFFE0]  }
0xef: {  	v6 =	vld [tilespmem:s19+$0xFFFFFFF0]  }
0xf0: {  	v7 =	vld [tilespmem:s19+$0x0]  }
0xf1: {  	v8 =	vld [tilespmem:s19+$0x10]  }
0xf2: {  	v9 =	vld [tilespmem:s19+$0x20]  }
0xf3: {  	v10 =	vld [tilespmem:s19+$0x30]  }
0xf4: {  	v11 =	vld [tilespmem:s19+$0x40]  }
0xf5: {  	v12 =	vld [tilespmem:s19+$0x50]  }
0xf6: {  	v13 =	vld [tilespmem:s19+$0x60]  }
0xf7: {  	v14 =	vld [tilespmem:s19+$0xFFFFFF80]  }
0xf8: {  	[tilespmem:s17+$0xFFFFFDA0] =	vst.add.f32.msk $0xffff, v1  }
0xf9: {  	[tilespmem:s17+$0xFFFFFDB0] =	vst.add.f32.msk $0xffff, v2  }
0xfa: {  	[tilespmem:s17+$0xFFFFFDC0] =	vst.add.f32.msk $0xffff, v3  }
0xfb: {  	[tilespmem:s17+$0xFFFFFDD0] =	vst.add.f32.msk $0xffff, v4  }
0xfc: {  	[tilespmem:s17+$0xFFFFFD90] =	vst.add.f32.msk $0xffff, v14  }
0xfd: {  	[tilespmem:s17+$0xFFFFFDE0] =	vst.add.f32.msk $0xffff, v0  }
0xfe: {  	[tilespmem:s17+$0xFFFFFDF0] =	vst.add.f32.msk $0xffff, v5  }
0xff: {  	[tilespmem:s17+$0xFFFFFE00] =	vst.add.f32.msk $0xffff, v6  }
0x100: {  	[tilespmem:s17+$0xFFFFFF90] =	vst.add.f32.msk $0xffff, v7  }
0x101: {  	[tilespmem:s17+$0xFFFFFFA0] =	vst.add.f32.msk $0xffff, v8  }
.Ltmp8:
0x102: {  	[tilespmem:s17+$0xFFFFFFB0] =	vst.add.f32.msk $0xffff, v9;
	(pc) =	sbr.rel @p0 .LBB2_18-.Ltmp8, $4  }
0x103: {  	[tilespmem:s17+$0xFFFFFFC0] =	vst.add.f32.msk $0xffff, v10  }
0x104: {  	[tilespmem:s17+$0xFFFFFFD0] =	vst.add.f32.msk $0xffff, v11  }
0x105: {  	[tilespmem:s17+$0xFFFFFFE0] =	vst.add.f32.msk $0xffff, v12  }
0x106: {  	s19 =	sadd.s32 $0x100, s19;
	[tilespmem:s17+$0xFFFFFFF0] =	vst.add.f32.msk $0xffff, v13  }
0x107: {  	s17 =	simm.s32 $0x6500  }
0x108: {  	s18 =	simm.s32 $0x10;
	s20 =	sadd.s32 $0x0, s10;
	s19 =	simm.s32 $0x6700  }
.LBB2_20:
0x109: {  	[hbm4b:s20+s2] =	stream.linear.scatter [tilespmem:s17], [sflag:$0x2], $0x80, $0x38;
	[tilespmem:$0x1F400] =	vst v63  }
0x10a: {  	s20 =	smov.u32 s18;
	s17 =	smov.u32 s19;
	p0 =	sne.s32 s18, $0xC70  }
.Ltmp9:
0x10b: {  	s18 =	sadd.s32 $0x10, s18;
	(pc) =	sbr.rel @p0 .LBB2_20-.Ltmp9, $2  }
0x10c: {  	_ =	sdelay $0x2  }
0x10d: {  	s19 =	sadd.s32 $0x200, s19;
	s20 =	sadd.s32 s20, s10  }
0x10e: {  	[hbm4b:s20+s2] =	stream.linear.scatter [tilespmem:s17], [sflag:$0x2], $0x80, $0x38;
	[tilespmem:$0x1F400] =	vst v63  }
0x10f: {  	_ =	swait.ge [sflag:s14], $0x6400  }
0x110: {  	[sflag:s14] =	ssyncset.done $0x0  }
0x111: {  	s18 =	simm.s32 $0x80;
	[sflag:s14] =	ssyncadd.s32 $0xFFFF9C00  }
0x112: {  	v0 =	vld [tilespmem:s18+$0x70]  }
0x113: {  	v1 =	vld [tilespmem:s18+$0xFFFFFF90]  }
0x114: {  	v2 =	vld [tilespmem:s18+$0xFFFFFFA0]  }
0x115: {  	v3 =	vld [tilespmem:s18+$0xFFFFFFB0]  }
0x116: {  	v4 =	vld [tilespmem:s18+$0xFFFFFFC0]  }
0x117: {  	v63 =	vld [tilespmem:s18+$0xFFFFFFD0]  }
0x118: {  	v5 =	vld [tilespmem:s18+$0xFFFFFFE0]  }
0x119: {  	v6 =	vld [tilespmem:s18+$0xFFFFFFF0]  }
0x11a: {  	v7 =	vld [tilespmem:s18+$0x0]  }
0x11b: {  	v8 =	vld [tilespmem:s18+$0x10]  }
0x11c: {  	v9 =	vld [tilespmem:s18+$0x20]  }
0x11d: {  	v10 =	vld [tilespmem:s18+$0x30]  }
0x11e: {  	v11 =	vld [tilespmem:s18+$0x40]  }
0x11f: {  	v12 =	vld [tilespmem:s18+$0x50]  }
0x120: {  	v13 =	vld [tilespmem:s18+$0x60]  }
0x121: {  	s17 =	simm.s32 $0x67F0;
	v14 =	vld [tilespmem:s18+$0xFFFFFF80]  }
0x122: {  	[tilespmem:s17+$0x0] =	vst.add.f32.msk $0xffff, v0  }
0x123: {  	[tilespmem:s17+$0xFFFFFDA0] =	vst.add.f32.msk $0xffff, v1  }
0x124: {  	[tilespmem:s17+$0xFFFFFDB0] =	vst.add.f32.msk $0xffff, v2  }
0x125: {  	[tilespmem:s17+$0xFFFFFDC0] =	vst.add.f32.msk $0xffff, v3  }
0x126: {  	[tilespmem:s17+$0xFFFFFDD0] =	vst.add.f32.msk $0xffff, v4  }
0x127: {  	[tilespmem:s17+$0xFFFFFD90] =	vst.add.f32.msk $0xffff, v14  }
0x128: {  	[tilespmem:s17+$0xFFFFFDE0] =	vst.add.f32.msk $0xffff, v63  }
0x129: {  	[tilespmem:s17+$0xFFFFFDF0] =	vst.add.f32.msk $0xffff, v5  }
0x12a: {  	[tilespmem:s17+$0xFFFFFE00] =	vst.add.f32.msk $0xffff, v6  }
0x12b: {  	[tilespmem:s17+$0xFFFFFF90] =	vst.add.f32.msk $0xffff, v7  }
0x12c: {  	[tilespmem:s17+$0xFFFFFFA0] =	vst.add.f32.msk $0xffff, v8  }
0x12d: {  	[tilespmem:s17+$0xFFFFFFB0] =	vst.add.f32.msk $0xffff, v9  }
0x12e: {  	[tilespmem:s17+$0xFFFFFFC0] =	vst.add.f32.msk $0xffff, v10  }
0x12f: {  	[tilespmem:s17+$0xFFFFFFD0] =	vst.add.f32.msk $0xffff, v11  }
0x130: {  	[tilespmem:s17+$0xFFFFFFE0] =	vst.add.f32.msk $0xffff, v12  }
0x131: {  	s19 =	simm.s32 $0x180;
	s18 =	simm.s32 $0x0;
	[tilespmem:s17+$0xFFFFFFF0] =	vst.add.f32.msk $0xffff, v13  }
.LBB2_22:
0x132: {  	v0 =	vld [tilespmem:s19+$0x70];
	s18 =	sadd.s32 $0x100, s18  }
0x133: {  	v1 =	vld [tilespmem:s19+$0xFFFFFF90];
	p0 =	slt.u32 s18, $0x6300  }
0x134: {  	v2 =	vld [tilespmem:s19+$0xFFFFFFA0]  }
0x135: {  	v3 =	vld [tilespmem:s19+$0xFFFFFFB0]  }
0x136: {  	s17 =	sadd.s32 $0x400, s17;
	v4 =	vld [tilespmem:s19+$0xFFFFFFC0]  }
0x137: {  	[tilespmem:s17+$0x0] =	vst.add.f32.msk $0xffff, v0  }
0x138: {  	v0 =	vld [tilespmem:s19+$0xFFFFFFD0]  }
0x139: {  	v5 =	vld [tilespmem:s19+$0xFFFFFFE0]  }
0x13a: {  	v6 =	vld [tilespmem:s19+$0xFFFFFFF0]  }
0x13b: {  	v7 =	vld [tilespmem:s19+$0x0]  }
0x13c: {  	v8 =	vld [tilespmem:s19+$0x10]  }
0x13d: {  	v9 =	vld [tilespmem:s19+$0x20]  }
0x13e: {  	v10 =	vld [tilespmem:s19+$0x30]  }
0x13f: {  	v11 =	vld [tilespmem:s19+$0x40]  }
0x140: {  	v12 =	vld [tilespmem:s19+$0x50]  }
0x141: {  	v13 =	vld [tilespmem:s19+$0x60]  }
0x142: {  	v14 =	vld [tilespmem:s19+$0xFFFFFF80]  }
0x143: {  	[tilespmem:s17+$0xFFFFFDA0] =	vst.add.f32.msk $0xffff, v1  }
0x144: {  	[tilespmem:s17+$0xFFFFFDB0] =	vst.add.f32.msk $0xffff, v2  }
0x145: {  	[tilespmem:s17+$0xFFFFFDC0] =	vst.add.f32.msk $0xffff, v3  }
0x146: {  	[tilespmem:s17+$0xFFFFFDD0] =	vst.add.f32.msk $0xffff, v4  }
0x147: {  	[tilespmem:s17+$0xFFFFFD90] =	vst.add.f32.msk $0xffff, v14  }
0x148: {  	[tilespmem:s17+$0xFFFFFDE0] =	vst.add.f32.msk $0xffff, v0  }
0x149: {  	[tilespmem:s17+$0xFFFFFDF0] =	vst.add.f32.msk $0xffff, v5  }
0x14a: {  	[tilespmem:s17+$0xFFFFFE00] =	vst.add.f32.msk $0xffff, v6  }
0x14b: {  	[tilespmem:s17+$0xFFFFFF90] =	vst.add.f32.msk $0xffff, v7  }
0x14c: {  	[tilespmem:s17+$0xFFFFFFA0] =	vst.add.f32.msk $0xffff, v8  }
.Ltmp10:
0x14d: {  	[tilespmem:s17+$0xFFFFFFB0] =	vst.add.f32.msk $0xffff, v9;
	(pc) =	sbr.rel @p0 .LBB2_22-.Ltmp10, $4  }
0x14e: {  	[tilespmem:s17+$0xFFFFFFC0] =	vst.add.f32.msk $0xffff, v10  }
0x14f: {  	[tilespmem:s17+$0xFFFFFFD0] =	vst.add.f32.msk $0xffff, v11  }
0x150: {  	[tilespmem:s17+$0xFFFFFFE0] =	vst.add.f32.msk $0xffff, v12  }
0x151: {  	s19 =	sadd.s32 $0x100, s19;
	[tilespmem:s17+$0xFFFFFFF0] =	vst.add.f32.msk $0xffff, v13  }
0x152: {  	s17 =	simm.s32 $0x6580  }
0x153: {  	s18 =	simm.s32 $0x10;
	s20 =	sadd.s32 $0x0, s11;
	s19 =	simm.s32 $0x6780  }
.LBB2_24:
0x154: {  	[hbm4b:s20+s2] =	stream.linear.scatter [tilespmem:s17], [sflag:$0x2], $0x80, $0x38;
	[tilespmem:$0x1F400] =	vst v63  }
0x155: {  	s20 =	smov.u32 s18;
	s17 =	smov.u32 s19;
	p0 =	sne.s32 s18, $0xC70  }
.Ltmp11:
0x156: {  	s18 =	sadd.s32 $0x10, s18;
	(pc) =	sbr.rel @p0 .LBB2_24-.Ltmp11, $2  }
0x157: {  	_ =	sdelay $0x2  }
0x158: {  	s19 =	sadd.s32 $0x200, s19;
	s20 =	sadd.s32 s20, s11  }
0x159: {  	[hbm4b:s20+s2] =	stream.linear.scatter [tilespmem:s17], [sflag:$0x2], $0x80, $0x38;
	[tilespmem:$0x1F400] =	vst v63  }
0x15a: {  	_ =	swait.ge [sflag:s15], $0x6400  }
0x15b: {  	[sflag:s15] =	ssyncset.done $0x0  }
0x15c: {  	[sflag:s15] =	ssyncadd.s32 $0xFFFF9C00  }
0x15d: {  	_ =	swait.ge [sflag:s15], $0x6400  }
0x15e: {  	[sflag:s15] =	ssyncset.done $0x0  }
0x15f: {  	s16 =	sadd.s32 $0x1, s16;
	[sflag:s15] =	ssyncadd.s32 $0xFFFF9C00  }
0x160: {  	p0 =	sne.s32 s16, s12;
	_ =	swait.ge [sflag:s15], $0x6400  }
.Ltmp12:
0x161: {  	[sflag:s15] =	ssyncset.done $0x0;
	(pc) =	sbr.rel @p0 .LBB2_1-.Ltmp12, $4  }
0x162: {  	[sflag:s15] =	ssyncadd.s32 $0xFFFF9C00  }
0x163: {  	_ =	swait.ge [sflag:s15], $0x6400  }
0x164: {  	[sflag:s15] =	ssyncset.done $0x0  }
0x165: {  	[sflag:s15] =	ssyncadd.s32 $0xFFFF9C00  }
0x166: {  	_ =	sfence.sel $0x180000  }
0x167: {  	[bflag:$0x0] =	sbarrier.arrive $0xFFFF  }
0x168: {  	p0 =	sne.s32 s0, $0x0;
	_ =	strace $0x90000047  }
0x169: {  	s0 =	sadd.s32 @!p0 $0x100000, s1;
	[bflag:$0x2] =	sbarrier.arrive $0xFFFF  }
0x16a: {  	[sflag:s0] =	ssyncadd.tile.s32 @!p0 $0x1;
	_ =	shalt  }
.Lfunc_end2:
_tile_overlayer_lowered:
.L_overlay_start_2:
0x16b: {  	(tag) =	ssettag $0x2  }
0x16c: {  	s0 =	rddreg [dreg:$0x0];
	s2 =	stileid.u32  }
0x16d: {  	s1 =	rddreg [dreg:$0x1];
	p0 =	sne.s32 s2, $0x0  }
0x16e: {  	s3 =	rddreg [dreg:$0x2];
	[bflag:$0x3] =	sbarrier.arrive $0xFFFF;
	s2 =	simm.s32 @!p0 $0x1C03  }
0x16f: {  	[timem:s3], [sflag:s2] =	dma.local @!p0 [hbm:s0], s1  }
0x170: {  	s0 =	simm.s32 @!p0 $0x3  }
0x171: {  	_ =	swait.ge @!p0 [sflag:s0], s1  }
0x172: {  	s1 =	ssub.s32 @!p0 $0x0, s1;
	[sflag:s0] =	ssyncset.done @!p0 $0x0  }
0x173: {  	[sflag:s0] =	ssyncadd.s32 @!p0 s1  }
0x174: {  	[bflag:$0x3] =	sbarrier.arrive $0xFFFF  }
0x175: {  	_ =	shalt  }

</sc_bundles>
